<compile_context>
chip_gen: v7x
topology: tpu7x:2x2x1
jax: 0.10.2.dev20260603
libtpu: 0.0.44.dev20260713+nightly
codegen_flags: <defaults>
</compile_context>

<pallas_src>
import functools

import jax
import jax.numpy as jnp
from jax import lax
from jax.experimental import pallas as pl
from jax.experimental.pallas import tpu as pltpu
from jax.experimental.pallas import tpu_sc as plsc

N_KNOTS = 1024
M_BUCKETS = 16384
LANES = 16
CHUNK = 8192


P2_BJ = 512


def _prep1_tc_body(xp_ref, yp_ref, p0_ref, p1_ref, p2_ref, p3_ref):
    f32 = jnp.float32
    n = N_KNOTS
    x = xp_ref[...]
    y = yp_ref[...]
    zero1 = jnp.zeros((1,), f32)
    sl = lambda v: jnp.concatenate([v[1:], zero1])
    sr = lambda v: jnp.concatenate([zero1, v[:-1]])
    h_e = sl(x) - x
    dy_e = jnp.where(h_e > 0.0, (sl(y) - y) / jnp.where(h_e > 0, h_e, 1.0),
                     0.0)
    idx = lax.iota(jnp.int32, n)
    interior = (idx >= 1) & (idx <= n - 2)
    lo = jnp.where(interior, sr(h_e) / 6.0, 0.0)
    up = jnp.where(interior, h_e / 6.0, 0.0)
    diag = jnp.where(interior, 2.0 * (lo + up), 1.0)
    rhs = jnp.where(interior, dy_e - sr(dy_e), 0.0)
    z = rhs / diag
    for _ in range(40):
        z = (rhs - lo * sr(z) - up * sl(z)) / diag
    c0 = z
    c1 = sl(z)
    hs = jnp.where(h_e > 0.0, h_e, 1.0)
    p0_ref[...] = y
    p1_ref[...] = dy_e - h_e * (2.0 * c0 + c1) / 6.0
    p2_ref[...] = c0 / 2.0
    p3_ref[...] = (c1 - c0) / (6.0 * hs)


def _prep2_tc_body(xc_ref, p0_ref, p1_ref, p2_ref, p3_ref,
                   q0_ref, q1_ref, q2_ref, q3_ref):
    f32 = jnp.float32
    n = N_KNOTS
    b = pl.program_id(0)
    xc = xc_ref[...]
    x0g = xc_ref[0, 0]
    xng = xc_ref[n - 1, 0]
    w = (xng - x0g) / f32(M_BUCKETS)
    jm = lax.broadcasted_iota(jnp.int32, (1, P2_BJ), 1) + b * P2_BJ
    e = x0g + jm.astype(f32) * w
    mid = e + 0.5 * w
    le = (xc <= mid).astype(f32)
    zr = jnp.zeros((1, 1), f32)

    def pick(vref):
        v = vref[...]
        dv = v - jnp.concatenate([zr, v[:-1]], axis=0)
        return jnp.sum(dv * le, axis=0, keepdims=True)

    dl = e - pick(xc_ref)
    P0, P1, P2, P3 = pick(p0_ref), pick(p1_ref), pick(p2_ref), pick(p3_ref)
    q0 = P0 + dl * (P1 + dl * (P2 + dl * P3))
    q1 = (P1 + dl * (2.0 * P2 + 3.0 * P3 * dl)) * w
    q2 = (P2 + 3.0 * P3 * dl) * (w * w)
    q3 = P3 * (w * w * w)
    q0_ref[...] = q0.reshape(1, 1, P2_BJ)
    q1_ref[...] = q1.reshape(1, 1, P2_BJ)
    q2_ref[...] = q2.reshape(1, 1, P2_BJ)
    q3_ref[...] = q3.reshape(1, 1, P2_BJ)


def _build_tables(x_points, y_points):
    f32 = jnp.float32
    n = N_KNOTS
    p0, p1, p2, p3 = pl.pallas_call(
        _prep1_tc_body,
        out_shape=[jax.ShapeDtypeStruct((n,), f32)] * 4,
    )(x_points, y_points)

    nblk = M_BUCKETS // P2_BJ
    full_col = pl.BlockSpec((n, 1), lambda b: (0, 0))
    row_blk = pl.BlockSpec((1, 1, P2_BJ), lambda b: (b, 0, 0))
    cols = [v.reshape(n, 1) for v in (x_points, p0, p1, p2, p3)]
    q0, q1, q2, q3 = pl.pallas_call(
        _prep2_tc_body,
        grid=(nblk,),
        in_specs=[full_col] * 5,
        out_specs=[row_blk] * 4,
        out_shape=[jax.ShapeDtypeStruct((nblk, 1, P2_BJ), f32)] * 4,
    )(*cols)

    x0g = x_points[0]
    xng = x_points[-1]
    invw = f32(M_BUCKETS) / (xng - x0g)
    flat = lambda q: q.reshape(M_BUCKETS)
    return flat(q0), flat(q1), flat(q2), flat(q3), x0g, invw


def _spline_sc_body(x_hbm, q0_hbm, q1_hbm, q2_hbm, q3_hbm, par_hbm,
                    out_hbm,
                    q0_v, q1_v, q2_v, q3_v, par_v,
                    xb0, xb1, ob0, ob1, si0, si1, so0, so1,
                    *, per_tile, num_cores):
    wid = lax.axis_index("s") * num_cores + lax.axis_index("c")
    base = wid * per_tile
    nch = per_tile // CHUNK
    xb, ob = (xb0, xb1), (ob0, ob1)
    si, so = (si0, si1), (so0, so1)

    pltpu.sync_copy(q0_hbm, q0_v)
    pltpu.sync_copy(q1_hbm, q1_v)
    pltpu.sync_copy(q2_hbm, q2_v)
    pltpu.sync_copy(q3_hbm, q3_v)
    pltpu.sync_copy(par_hbm, par_v)

    x0v = par_v[pl.ds(0, LANES)]
    invwv = par_v[pl.ds(LANES, LANES)]
    zeroi = jnp.zeros((LANES,), jnp.int32)
    maxj = jnp.full((LANES,), M_BUCKETS - 1, jnp.int32)

    def in_copy(k, b):
        return pltpu.make_async_copy(
            x_hbm.at[pl.ds(base + k * CHUNK, CHUNK)], xb[b], si[b])

    def out_copy(k, b):
        return pltpu.make_async_copy(
            ob[b], out_hbm.at[pl.ds(base + k * CHUNK, CHUNK)], so[b])

    in_copy(0, 0).start()
    in_copy(1, 1).start()

    def pair_body(k2, _):
        for b in (0, 1):
            k = k2 * 2 + b

            @pl.when(k2 > 0)
            def _():
                out_copy(k - 2, b).wait()

            in_copy(k, b).wait()

            @plsc.parallel_loop(0, CHUNK, step=LANES, unroll=8)
            def _(off):
                xv = xb[b][pl.ds(off, LANES)]
                t0 = (xv - x0v) * invwv
                j = jnp.minimum(jnp.maximum(t0.astype(jnp.int32), zeroi), maxj)
                a0 = plsc.load_gather(q0_v, [j])
                a1 = plsc.load_gather(q1_v, [j])
                a2 = plsc.load_gather(q2_v, [j])
                a3 = plsc.load_gather(q3_v, [j])
                u = t0 - j.astype(jnp.float32)
                ob[b][pl.ds(off, LANES)] = a0 + u * (a1 + u * (a2 + u * a3))

            out_copy(k, b).start()

            @pl.when(k2 < nch // 2 - 1)
            def _():
                in_copy(k + 2, b).start()

        return 0

    lax.fori_loop(0, nch // 2, pair_body, 0)
    out_copy(nch - 2, 0).wait()
    out_copy(nch - 1, 1).wait()


def kernel(x, x_points, y_points):
    n_eval = x.shape[0]
    info = plsc.get_sparse_core_info()
    num_workers = info.num_cores * info.num_subcores
    assert n_eval % (num_workers * 2 * CHUNK) == 0, n_eval
    per_tile = n_eval // num_workers

    x_points = x_points.astype(jnp.float32)
    y_points = y_points.astype(jnp.float32)
    q0, q1, q2, q3, x0g, invw = _build_tables(x_points, y_points)
    params = jnp.concatenate([
        jnp.full((LANES,), x0g, jnp.float32),
        jnp.full((LANES,), invw, jnp.float32),
    ])

    mesh = plsc.VectorSubcoreMesh(core_axis_name="c", subcore_axis_name="s")
    f32 = jnp.float32
    run = pl.kernel(
        functools.partial(_spline_sc_body, per_tile=per_tile,
                          num_cores=info.num_cores),
        out_type=jax.ShapeDtypeStruct((n_eval,), f32),
        mesh=mesh,
        compiler_params=pltpu.CompilerParams(needs_layout_passes=False),
        scratch_types=[
            pltpu.VMEM((M_BUCKETS,), f32),
            pltpu.VMEM((M_BUCKETS,), f32),
            pltpu.VMEM((M_BUCKETS,), f32),
            pltpu.VMEM((M_BUCKETS,), f32),
            pltpu.VMEM((2 * LANES,), f32),
            pltpu.VMEM((CHUNK,), f32),
            pltpu.VMEM((CHUNK,), f32),
            pltpu.VMEM((CHUNK,), f32),
            pltpu.VMEM((CHUNK,), f32),
            pltpu.SemaphoreType.DMA,
            pltpu.SemaphoreType.DMA,
            pltpu.SemaphoreType.DMA,
            pltpu.SemaphoreType.DMA,
        ],
    )
    return run(x, q0, q1, q2, q3, params)

# --- scband reference (transcript-rebuilt; emitter-appended) ---
"""Pipeline reference for scband-cubic-spline-88252987998732 (READ-ONLY COPY).

The authoritative reference and input builder live on the scoring server;
editing this copy changes nothing except your own understanding.
"""

import jax, jax.numpy as jnp
import numpy as np

N_POINTS = 1024
N_EVAL = 8388608


def _compute_second_derivatives(x_points, y_points):
    n = x_points.shape[0]
    intervals = x_points[1:] - x_points[:-1]
    dy = (y_points[1:] - y_points[:-1]) / intervals
    A = jnp.zeros((n, n), dtype=x_points.dtype)
    B = jnp.zeros((n,), dtype=x_points.dtype)
    A = A.at[0, 0].set(1.0)
    A = A.at[n - 1, n - 1].set(1.0)
    idx = jnp.arange(1, n - 1)
    # A[i, i-1] = intervals[i-1]/6 ; A[i, i] = (intervals[i-1]+intervals[i])/3 ; A[i, i+1] = intervals[i]/6
    A = A.at[idx, idx - 1].set(intervals[:-1] / 6.0)
    A = A.at[idx, idx].set((intervals[:-1] + intervals[1:]) / 3.0)
    A = A.at[idx, idx + 1].set(intervals[1:] / 6.0)
    B = B.at[idx].set(dy[1:] - dy[:-1])
    d2y = jnp.linalg.solve(A, B)
    return d2y


def setup_inputs(seed: int = 0) -> dict:
    key = jax.random.key(seed)
    k1, k2, k3 = jax.random.split(key, 3)
    # strictly increasing abscissas
    steps = jax.random.uniform(k1, (N_POINTS,), dtype=jnp.float32, minval=0.5, maxval=1.5)
    x_points = jnp.cumsum(steps)
    y_points = jax.random.normal(k2, (N_POINTS,), dtype=jnp.float32)
    u = jax.random.uniform(k3, (N_EVAL,), dtype=jnp.float32)
    x = x_points[0] + (x_points[-1] - x_points[0]) * u
    return {"x": x, "x_points": x_points, "y_points": y_points}


def reference(x, x_points, y_points):
    n = x_points.shape[0]
    d2y_points = _compute_second_derivatives(x_points, y_points)
    intervals = x_points[1:] - x_points[:-1]
    h2over6 = intervals ** 2 / 6.0
    i = jnp.searchsorted(x_points, x, side="right") - 1
    i = jnp.clip(i, 0, n - 2)
    h = intervals[i]
    a = (x_points[i + 1] - x) / h
    b = (x - x_points[i]) / h
    h26 = h2over6[i]
    out = a * (y_points[i] + (a * a - 1.0) * d2y_points[i] * h26) + b * (
        y_points[i + 1] + (b * b - 1.0) * d2y_points[i + 1] * h26
    )
    return out

if __name__ == "__main__":
    import jax
    _d = setup_inputs()
    print(jax.jit(kernel)(*tuple(_d.values())))

</pallas_src>

<mosaic_0001>
#map = affine_map<(d0, d1) -> (0)>
module attributes {stable_mosaic.version = 14 : i64} {
  func.func @_spline_sc_body(%arg0: i32, %arg1: i32, %arg2: memref<8388608xf32, #tpu.memory_space<hbm>>, %arg3: memref<16384xf32, #tpu.memory_space<hbm>>, %arg4: memref<16384xf32, #tpu.memory_space<hbm>>, %arg5: memref<16384xf32, #tpu.memory_space<hbm>>, %arg6: memref<16384xf32, #tpu.memory_space<hbm>>, %arg7: memref<32xf32, #tpu.memory_space<hbm>>, %arg8: memref<8388608xf32, #tpu.memory_space<hbm>>, %arg9: memref<16384xf32, #tpu.memory_space<vmem>>, %arg10: memref<16384xf32, #tpu.memory_space<vmem>>, %arg11: memref<16384xf32, #tpu.memory_space<vmem>>, %arg12: memref<16384xf32, #tpu.memory_space<vmem>>, %arg13: memref<32xf32, #tpu.memory_space<vmem>>, %arg14: memref<8192xf32, #tpu.memory_space<vmem>>, %arg15: memref<8192xf32, #tpu.memory_space<vmem>>, %arg16: memref<8192xf32, #tpu.memory_space<vmem>>, %arg17: memref<8192xf32, #tpu.memory_space<vmem>>, %arg18: memref<!tpu.dma_semaphore, #tpu.memory_space<semaphore_mem>>, %arg19: memref<!tpu.dma_semaphore, #tpu.memory_space<semaphore_mem>>, %arg20: memref<!tpu.dma_semaphore, #tpu.memory_space<semaphore_mem>>, %arg21: memref<!tpu.dma_semaphore, #tpu.memory_space<semaphore_mem>>) attributes {dimension_semantics = [#tpu.dimension_semantics<core_parallel>, #tpu.dimension_semantics<subcore_parallel>], iteration_bounds = array<i64: 2, 16>, scalar_prefetch = 0 : i64, scratch_operands = 13 : i64, tpu.core_type = #tpu.core_type<sc_vector_subcore>, window_params = [{transform_indices = #map}, {transform_indices = #map}, {transform_indices = #map}, {transform_indices = #map}, {transform_indices = #map}, {transform_indices = #map}, {transform_indices = #map}]} {
    %mul3A = arith.constant 2 : i32
    %mul3A_0 = arith.muli %arg1, %mul3A : i32
    %add3A = arith.addi %mul3A_0, %arg0 : i32
    %mul3A_1 = arith.constant 262144 : i32
    %mul3A_2 = arith.muli %add3A, %mul3A_1 : i32
    "tpu.region"() ({
      %run_scoped3A = tpu.sem_alloc : memref<!tpu.dma_semaphore, #tpu.memory_space<semaphore_mem>>
      tpu.enqueue_dma source(%arg3 : memref<16384xf32, #tpu.memory_space<hbm>>) target(%arg9 : memref<16384xf32, #tpu.memory_space<vmem>>) target_semaphore(%run_scoped3A : memref<!tpu.dma_semaphore, #tpu.memory_space<semaphore_mem>>)
      tpu.wait_dma2 semaphore(%run_scoped3A : memref<!tpu.dma_semaphore, #tpu.memory_space<semaphore_mem>>) src(%arg3 : memref<16384xf32, #tpu.memory_space<hbm>>) dst(%arg9 : memref<16384xf32, #tpu.memory_space<vmem>>)
      tpu.yield
    }) : () -> ()
    "tpu.region"() ({
      %run_scoped3A = tpu.sem_alloc : memref<!tpu.dma_semaphore, #tpu.memory_space<semaphore_mem>>
      tpu.enqueue_dma source(%arg4 : memref<16384xf32, #tpu.memory_space<hbm>>) target(%arg10 : memref<16384xf32, #tpu.memory_space<vmem>>) target_semaphore(%run_scoped3A : memref<!tpu.dma_semaphore, #tpu.memory_space<semaphore_mem>>)
      tpu.wait_dma2 semaphore(%run_scoped3A : memref<!tpu.dma_semaphore, #tpu.memory_space<semaphore_mem>>) src(%arg4 : memref<16384xf32, #tpu.memory_space<hbm>>) dst(%arg10 : memref<16384xf32, #tpu.memory_space<vmem>>)
      tpu.yield
    }) : () -> ()
    "tpu.region"() ({
      %run_scoped3A = tpu.sem_alloc : memref<!tpu.dma_semaphore, #tpu.memory_space<semaphore_mem>>
      tpu.enqueue_dma source(%arg5 : memref<16384xf32, #tpu.memory_space<hbm>>) target(%arg11 : memref<16384xf32, #tpu.memory_space<vmem>>) target_semaphore(%run_scoped3A : memref<!tpu.dma_semaphore, #tpu.memory_space<semaphore_mem>>)
      tpu.wait_dma2 semaphore(%run_scoped3A : memref<!tpu.dma_semaphore, #tpu.memory_space<semaphore_mem>>) src(%arg5 : memref<16384xf32, #tpu.memory_space<hbm>>) dst(%arg11 : memref<16384xf32, #tpu.memory_space<vmem>>)
      tpu.yield
    }) : () -> ()
    "tpu.region"() ({
      %run_scoped3A = tpu.sem_alloc : memref<!tpu.dma_semaphore, #tpu.memory_space<semaphore_mem>>
      tpu.enqueue_dma source(%arg6 : memref<16384xf32, #tpu.memory_space<hbm>>) target(%arg12 : memref<16384xf32, #tpu.memory_space<vmem>>) target_semaphore(%run_scoped3A : memref<!tpu.dma_semaphore, #tpu.memory_space<semaphore_mem>>)
      tpu.wait_dma2 semaphore(%run_scoped3A : memref<!tpu.dma_semaphore, #tpu.memory_space<semaphore_mem>>) src(%arg6 : memref<16384xf32, #tpu.memory_space<hbm>>) dst(%arg12 : memref<16384xf32, #tpu.memory_space<vmem>>)
      tpu.yield
    }) : () -> ()
    "tpu.region"() ({
      %run_scoped3A = tpu.sem_alloc : memref<!tpu.dma_semaphore, #tpu.memory_space<semaphore_mem>>
      tpu.enqueue_dma source(%arg7 : memref<32xf32, #tpu.memory_space<hbm>>) target(%arg13 : memref<32xf32, #tpu.memory_space<vmem>>) target_semaphore(%run_scoped3A : memref<!tpu.dma_semaphore, #tpu.memory_space<semaphore_mem>>)
      tpu.wait_dma2 semaphore(%run_scoped3A : memref<!tpu.dma_semaphore, #tpu.memory_space<semaphore_mem>>) src(%arg7 : memref<32xf32, #tpu.memory_space<hbm>>) dst(%arg13 : memref<32xf32, #tpu.memory_space<vmem>>)
      tpu.yield
    }) : () -> ()
    %get3A = arith.constant 0 : index
    %get3A_3 = tpu.vector_load %arg13[%get3A] {strides = array<i32>} : memref<32xf32, #tpu.memory_space<vmem>>, vector<16xf32>,
    %get3A_4 = arith.constant 16 : index
    %get3A_5 = tpu.vector_load %arg13[%get3A_4] {strides = array<i32>} : memref<32xf32, #tpu.memory_space<vmem>>, vector<16xf32>,
    %broadcast_in_dim3A = arith.constant 0 : i32
    %broadcast_in_dim3A_6 = vector.broadcast %broadcast_in_dim3A : i32 to vector<16xi32>
    %broadcast_in_dim3A_7 = arith.constant 16383 : i32
    %broadcast_in_dim3A_8 = vector.broadcast %broadcast_in_dim3A_7 : i32 to vector<16xi32>
    %add3A_9 = arith.constant 0 : i32
    %add3A_10 = arith.addi %mul3A_2, %add3A_9 : i32
    %dma_start3A = tpu.memref_slice %arg2[%add3A_10] : memref<8388608xf32, #tpu.memory_space<hbm>> -> memref<8192xf32, #tpu.memory_space<hbm>>
    %dma_start3A_11 = tpu.memref_slice %arg2[%add3A_10] : memref<8388608xf32, #tpu.memory_space<hbm>> -> memref<8192xf32, #tpu.memory_space<hbm>>
    tpu.enqueue_dma source(%dma_start3A_11 : memref<8192xf32, #tpu.memory_space<hbm>>) target(%arg14 : memref<8192xf32, #tpu.memory_space<vmem>>) target_semaphore(%arg18 : memref<!tpu.dma_semaphore, #tpu.memory_space<semaphore_mem>>)
    %add3A_12 = arith.constant 8192 : i32
    %add3A_13 = arith.addi %mul3A_2, %add3A_12 : i32
    %dma_start3A_14 = tpu.memref_slice %arg2[%add3A_13] : memref<8388608xf32, #tpu.memory_space<hbm>> -> memref<8192xf32, #tpu.memory_space<hbm>>
    %dma_start3A_15 = tpu.memref_slice %arg2[%add3A_13] : memref<8388608xf32, #tpu.memory_space<hbm>> -> memref<8192xf32, #tpu.memory_space<hbm>>
    tpu.enqueue_dma source(%dma_start3A_15 : memref<8192xf32, #tpu.memory_space<hbm>>) target(%arg15 : memref<8192xf32, #tpu.memory_space<vmem>>) target_semaphore(%arg19 : memref<!tpu.dma_semaphore, #tpu.memory_space<semaphore_mem>>)
    %scan3A = arith.constant 0 : i32
    %scan3A_16 = arith.constant 0 : i32
    %scan3A_17 = arith.constant 16 : i32
    %scan3A_18 = arith.addi %scan3A_16, %scan3A_17 : i32
    %scan3A_19 = arith.constant 1 : i32
    %scan3A_20 = scf.for %scan3A_29 = %scan3A_16 to %scan3A_18 step %scan3A_19 iter_args(%scan3A_30 = %scan3A) -> (i32)  : i32 {
      %mul3A_31 = arith.constant 2 : i32
      %mul3A_32 = arith.muli %scan3A_29, %mul3A_31 : i32
      %add3A_33 = arith.constant 0 : i32
      %add3A_34 = arith.addi %mul3A_32, %add3A_33 : i32
      %gt3A = arith.constant 0 : i32
      %gt3A_35 = arith.cmpi sgt, %scan3A_29, %gt3A : i32
      %convert_element_type3A = arith.extui %gt3A_35 : i1 to i32
      %cond3A = arith.constant 0 : i32
      %cond3A_36 = arith.cmpi ne, %convert_element_type3A, %cond3A : i32
      scf.if %cond3A_36 {
        %sub3A = arith.constant 2 : i32
        %sub3A_81 = arith.subi %add3A_34, %sub3A : i32
        %mul3A_82 = arith.constant 8192 : i32
        %mul3A_83 = arith.muli %sub3A_81, %mul3A_82 : i32
        %add3A_84 = arith.addi %mul3A_2, %mul3A_83 : i32
        %dma_wait3A_85 = tpu.memref_slice %arg8[%add3A_84] : memref<8388608xf32, #tpu.memory_space<hbm>> -> memref<8192xf32, #tpu.memory_space<hbm>>
        %dma_wait3A_86 = tpu.memref_slice %arg8[%add3A_84] : memref<8388608xf32, #tpu.memory_space<hbm>> -> memref<8192xf32, #tpu.memory_space<hbm>>
        tpu.wait_dma2 semaphore(%arg20 : memref<!tpu.dma_semaphore, #tpu.memory_space<semaphore_mem>>) src(%arg16 : memref<8192xf32, #tpu.memory_space<vmem>>) dst(%dma_wait3A_86 : memref<8192xf32, #tpu.memory_space<hbm>>)
      } else {
      }
      %mul3A_37 = arith.constant 8192 : i32
      %mul3A_38 = arith.muli %add3A_34, %mul3A_37 : i32
      %add3A_39 = arith.addi %mul3A_2, %mul3A_38 : i32
      %dma_wait3A_40 = tpu.memref_slice %arg2[%add3A_39] : memref<8388608xf32, #tpu.memory_space<hbm>> -> memref<8192xf32, #tpu.memory_space<hbm>>
      %dma_wait3A_41 = tpu.memref_slice %arg2[%add3A_39] : memref<8388608xf32, #tpu.memory_space<hbm>> -> memref<8192xf32, #tpu.memory_space<hbm>>
      tpu.wait_dma2 semaphore(%arg18 : memref<!tpu.dma_semaphore, #tpu.memory_space<semaphore_mem>>) src(%dma_wait3A_41 : memref<8192xf32, #tpu.memory_space<hbm>>) dst(%arg14 : memref<8192xf32, #tpu.memory_space<vmem>>)
      %parallel_loop3A = arith.constant 0 : i32
      %parallel_loop3A_42 = arith.constant 8192 : i32
      %parallel_loop3A_43 = arith.constant 16 : i32
      scf.for %parallel_loop3A_81 = %parallel_loop3A to %parallel_loop3A_42 step %parallel_loop3A_43  : i32 {
        %parallel_loop3A_82 = arith.index_cast %parallel_loop3A_81 : i32 to index
        %parallel_loop3A_83 = tpu.vector_load %arg14[%parallel_loop3A_82] {strides = array<i32>} : memref<8192xf32, #tpu.memory_space<vmem>>, vector<16xf32>,
        %parallel_loop3A_84 = arith.subf %parallel_loop3A_83, %get3A_3 : vector<16xf32>
        %parallel_loop3A_85 = arith.mulf %parallel_loop3A_84, %get3A_5 : vector<16xf32>
        %parallel_loop3A_86 = arith.fptosi %parallel_loop3A_85 : vector<16xf32> to vector<16xi32>
        %parallel_loop3A_87 = arith.maxsi %parallel_loop3A_86, %broadcast_in_dim3A_6 : vector<16xi32>
        %parallel_loop3A_88 = arith.minsi %parallel_loop3A_87, %broadcast_in_dim3A_8 : vector<16xi32>
        %parallel_loop3A_89 = tpu.vector_load_idx %arg9[%parallel_loop3A_88] : memref<16384xf32, #tpu.memory_space<vmem>>[vector<16xi32>], vector<16xf32>,
        %parallel_loop3A_90 = tpu.vector_load_idx %arg10[%parallel_loop3A_88] : memref<16384xf32, #tpu.memory_space<vmem>>[vector<16xi32>], vector<16xf32>,
        %parallel_loop3A_91 = tpu.vector_load_idx %arg11[%parallel_loop3A_88] : memref<16384xf32, #tpu.memory_space<vmem>>[vector<16xi32>], vector<16xf32>,
        %parallel_loop3A_92 = tpu.vector_load_idx %arg12[%parallel_loop3A_88] : memref<16384xf32, #tpu.memory_space<vmem>>[vector<16xi32>], vector<16xf32>,
        %parallel_loop3A_93 = arith.sitofp %parallel_loop3A_88 : vector<16xi32> to vector<16xf32>
        %parallel_loop3A_94 = arith.subf %parallel_loop3A_85, %parallel_loop3A_93 : vector<16xf32>
        %parallel_loop3A_95 = arith.mulf %parallel_loop3A_94, %parallel_loop3A_92 : vector<16xf32>
        %parallel_loop3A_96 = arith.addf %parallel_loop3A_91, %parallel_loop3A_95 : vector<16xf32>
        %parallel_loop3A_97 = arith.mulf %parallel_loop3A_94, %parallel_loop3A_96 : vector<16xf32>
        %parallel_loop3A_98 = arith.addf %parallel_loop3A_90, %parallel_loop3A_97 : vector<16xf32>
        %parallel_loop3A_99 = arith.mulf %parallel_loop3A_94, %parallel_loop3A_98 : vector<16xf32>
        %parallel_loop3A_100 = arith.addf %parallel_loop3A_89, %parallel_loop3A_99 : vector<16xf32>
        %parallel_loop3A_101 = arith.index_cast %parallel_loop3A_81 : i32 to index
        %parallel_loop3A_102 = tpu.vector_load %arg16[%parallel_loop3A_101] {strides = array<i32>} : memref<8192xf32, #tpu.memory_space<vmem>>, vector<16xf32>,
        tpu.vector_store %arg16[%parallel_loop3A_101], %parallel_loop3A_100 {strides = array<i32>} : memref<8192xf32, #tpu.memory_space<vmem>>, vector<16xf32>,
      } {sc.loop_unroll_factor = 8 : i64, sc.parallel_access}
      %mul3A_44 = arith.constant 8192 : i32
      %mul3A_45 = arith.muli %add3A_34, %mul3A_44 : i32
      %add3A_46 = arith.addi %mul3A_2, %mul3A_45 : i32
      %dma_start3A_47 = tpu.memref_slice %arg8[%add3A_46] : memref<8388608xf32, #tpu.memory_space<hbm>> -> memref<8192xf32, #tpu.memory_space<hbm>>
      %dma_start3A_48 = tpu.memref_slice %arg8[%add3A_46] : memref<8388608xf32, #tpu.memory_space<hbm>> -> memref<8192xf32, #tpu.memory_space<hbm>>
      tpu.enqueue_dma source(%arg16 : memref<8192xf32, #tpu.memory_space<vmem>>) target(%dma_start3A_48 : memref<8192xf32, #tpu.memory_space<hbm>>) target_semaphore(%arg20 : memref<!tpu.dma_semaphore, #tpu.memory_space<semaphore_mem>>)
      %lt3A = arith.constant 15 : i32
      %lt3A_49 = arith.cmpi slt, %scan3A_29, %lt3A : i32
      %convert_element_type3A_50 = arith.extui %lt3A_49 : i1 to i32
      %cond3A_51 = arith.constant 0 : i32
      %cond3A_52 = arith.cmpi ne, %convert_element_type3A_50, %cond3A_51 : i32
      scf.if %cond3A_52 {
        %add3A_81 = arith.constant 2 : i32
        %add3A_82 = arith.addi %add3A_34, %add3A_81 : i32
        %mul3A_83 = arith.constant 8192 : i32
        %mul3A_84 = arith.muli %add3A_82, %mul3A_83 : i32
        %add3A_85 = arith.addi %mul3A_2, %mul3A_84 : i32
        %dma_start3A_86 = tpu.memref_slice %arg2[%add3A_85] : memref<8388608xf32, #tpu.memory_space<hbm>> -> memref<8192xf32, #tpu.memory_space<hbm>>
        %dma_start3A_87 = tpu.memref_slice %arg2[%add3A_85] : memref<8388608xf32, #tpu.memory_space<hbm>> -> memref<8192xf32, #tpu.memory_space<hbm>>
        tpu.enqueue_dma source(%dma_start3A_87 : memref<8192xf32, #tpu.memory_space<hbm>>) target(%arg14 : memref<8192xf32, #tpu.memory_space<vmem>>) target_semaphore(%arg18 : memref<!tpu.dma_semaphore, #tpu.memory_space<semaphore_mem>>)
      } else {
      }
      %mul3A_53 = arith.constant 2 : i32
      %mul3A_54 = arith.muli %scan3A_29, %mul3A_53 : i32
      %add3A_55 = arith.constant 1 : i32
      %add3A_56 = arith.addi %mul3A_54, %add3A_55 : i32
      %gt3A_57 = arith.constant 0 : i32
      %gt3A_58 = arith.cmpi sgt, %scan3A_29, %gt3A_57 : i32
      %convert_element_type3A_59 = arith.extui %gt3A_58 : i1 to i32
      %cond3A_60 = arith.constant 0 : i32
      %cond3A_61 = arith.cmpi ne, %convert_element_type3A_59, %cond3A_60 : i32
      scf.if %cond3A_61 {
        %sub3A = arith.constant 2 : i32
        %sub3A_81 = arith.subi %add3A_56, %sub3A : i32
        %mul3A_82 = arith.constant 8192 : i32
        %mul3A_83 = arith.muli %sub3A_81, %mul3A_82 : i32
        %add3A_84 = arith.addi %mul3A_2, %mul3A_83 : i32
        %dma_wait3A_85 = tpu.memref_slice %arg8[%add3A_84] : memref<8388608xf32, #tpu.memory_space<hbm>> -> memref<8192xf32, #tpu.memory_space<hbm>>
        %dma_wait3A_86 = tpu.memref_slice %arg8[%add3A_84] : memref<8388608xf32, #tpu.memory_space<hbm>> -> memref<8192xf32, #tpu.memory_space<hbm>>
        tpu.wait_dma2 semaphore(%arg21 : memref<!tpu.dma_semaphore, #tpu.memory_space<semaphore_mem>>) src(%arg17 : memref<8192xf32, #tpu.memory_space<vmem>>) dst(%dma_wait3A_86 : memref<8192xf32, #tpu.memory_space<hbm>>)
      } else {
      }
      %mul3A_62 = arith.constant 8192 : i32
      %mul3A_63 = arith.muli %add3A_56, %mul3A_62 : i32
      %add3A_64 = arith.addi %mul3A_2, %mul3A_63 : i32
      %dma_wait3A_65 = tpu.memref_slice %arg2[%add3A_64] : memref<8388608xf32, #tpu.memory_space<hbm>> -> memref<8192xf32, #tpu.memory_space<hbm>>
      %dma_wait3A_66 = tpu.memref_slice %arg2[%add3A_64] : memref<8388608xf32, #tpu.memory_space<hbm>> -> memref<8192xf32, #tpu.memory_space<hbm>>
      tpu.wait_dma2 semaphore(%arg19 : memref<!tpu.dma_semaphore, #tpu.memory_space<semaphore_mem>>) src(%dma_wait3A_66 : memref<8192xf32, #tpu.memory_space<hbm>>) dst(%arg15 : memref<8192xf32, #tpu.memory_space<vmem>>)
      %parallel_loop3A_67 = arith.constant 0 : i32
      %parallel_loop3A_68 = arith.constant 8192 : i32
      %parallel_loop3A_69 = arith.constant 16 : i32
      scf.for %parallel_loop3A_81 = %parallel_loop3A_67 to %parallel_loop3A_68 step %parallel_loop3A_69  : i32 {
        %parallel_loop3A_82 = arith.index_cast %parallel_loop3A_81 : i32 to index
        %parallel_loop3A_83 = tpu.vector_load %arg15[%parallel_loop3A_82] {strides = array<i32>} : memref<8192xf32, #tpu.memory_space<vmem>>, vector<16xf32>,
        %parallel_loop3A_84 = arith.subf %parallel_loop3A_83, %get3A_3 : vector<16xf32>
        %parallel_loop3A_85 = arith.mulf %parallel_loop3A_84, %get3A_5 : vector<16xf32>
        %parallel_loop3A_86 = arith.fptosi %parallel_loop3A_85 : vector<16xf32> to vector<16xi32>
        %parallel_loop3A_87 = arith.maxsi %parallel_loop3A_86, %broadcast_in_dim3A_6 : vector<16xi32>
        %parallel_loop3A_88 = arith.minsi %parallel_loop3A_87, %broadcast_in_dim3A_8 : vector<16xi32>
        %parallel_loop3A_89 = tpu.vector_load_idx %arg9[%parallel_loop3A_88] : memref<16384xf32, #tpu.memory_space<vmem>>[vector<16xi32>], vector<16xf32>,
        %parallel_loop3A_90 = tpu.vector_load_idx %arg10[%parallel_loop3A_88] : memref<16384xf32, #tpu.memory_space<vmem>>[vector<16xi32>], vector<16xf32>,
        %parallel_loop3A_91 = tpu.vector_load_idx %arg11[%parallel_loop3A_88] : memref<16384xf32, #tpu.memory_space<vmem>>[vector<16xi32>], vector<16xf32>,
        %parallel_loop3A_92 = tpu.vector_load_idx %arg12[%parallel_loop3A_88] : memref<16384xf32, #tpu.memory_space<vmem>>[vector<16xi32>], vector<16xf32>,
        %parallel_loop3A_93 = arith.sitofp %parallel_loop3A_88 : vector<16xi32> to vector<16xf32>
        %parallel_loop3A_94 = arith.subf %parallel_loop3A_85, %parallel_loop3A_93 : vector<16xf32>
        %parallel_loop3A_95 = arith.mulf %parallel_loop3A_94, %parallel_loop3A_92 : vector<16xf32>
        %parallel_loop3A_96 = arith.addf %parallel_loop3A_91, %parallel_loop3A_95 : vector<16xf32>
        %parallel_loop3A_97 = arith.mulf %parallel_loop3A_94, %parallel_loop3A_96 : vector<16xf32>
        %parallel_loop3A_98 = arith.addf %parallel_loop3A_90, %parallel_loop3A_97 : vector<16xf32>
        %parallel_loop3A_99 = arith.mulf %parallel_loop3A_94, %parallel_loop3A_98 : vector<16xf32>
        %parallel_loop3A_100 = arith.addf %parallel_loop3A_89, %parallel_loop3A_99 : vector<16xf32>
        %parallel_loop3A_101 = arith.index_cast %parallel_loop3A_81 : i32 to index
        %parallel_loop3A_102 = tpu.vector_load %arg17[%parallel_loop3A_101] {strides = array<i32>} : memref<8192xf32, #tpu.memory_space<vmem>>, vector<16xf32>,
        tpu.vector_store %arg17[%parallel_loop3A_101], %parallel_loop3A_100 {strides = array<i32>} : memref<8192xf32, #tpu.memory_space<vmem>>, vector<16xf32>,
      } {sc.loop_unroll_factor = 8 : i64, sc.parallel_access}
      %mul3A_70 = arith.constant 8192 : i32
      %mul3A_71 = arith.muli %add3A_56, %mul3A_70 : i32
      %add3A_72 = arith.addi %mul3A_2, %mul3A_71 : i32
      %dma_start3A_73 = tpu.memref_slice %arg8[%add3A_72] : memref<8388608xf32, #tpu.memory_space<hbm>> -> memref<8192xf32, #tpu.memory_space<hbm>>
      %dma_start3A_74 = tpu.memref_slice %arg8[%add3A_72] : memref<8388608xf32, #tpu.memory_space<hbm>> -> memref<8192xf32, #tpu.memory_space<hbm>>
      tpu.enqueue_dma source(%arg17 : memref<8192xf32, #tpu.memory_space<vmem>>) target(%dma_start3A_74 : memref<8192xf32, #tpu.memory_space<hbm>>) target_semaphore(%arg21 : memref<!tpu.dma_semaphore, #tpu.memory_space<semaphore_mem>>)
      %lt3A_75 = arith.constant 15 : i32
      %lt3A_76 = arith.cmpi slt, %scan3A_29, %lt3A_75 : i32
      %convert_element_type3A_77 = arith.extui %lt3A_76 : i1 to i32
      %cond3A_78 = arith.constant 0 : i32
      %cond3A_79 = arith.cmpi ne, %convert_element_type3A_77, %cond3A_78 : i32
      scf.if %cond3A_79 {
        %add3A_81 = arith.constant 2 : i32
        %add3A_82 = arith.addi %add3A_56, %add3A_81 : i32
        %mul3A_83 = arith.constant 8192 : i32
        %mul3A_84 = arith.muli %add3A_82, %mul3A_83 : i32
        %add3A_85 = arith.addi %mul3A_2, %mul3A_84 : i32
        %dma_start3A_86 = tpu.memref_slice %arg2[%add3A_85] : memref<8388608xf32, #tpu.memory_space<hbm>> -> memref<8192xf32, #tpu.memory_space<hbm>>
        %dma_start3A_87 = tpu.memref_slice %arg2[%add3A_85] : memref<8388608xf32, #tpu.memory_space<hbm>> -> memref<8192xf32, #tpu.memory_space<hbm>>
        tpu.enqueue_dma source(%dma_start3A_87 : memref<8192xf32, #tpu.memory_space<hbm>>) target(%arg15 : memref<8192xf32, #tpu.memory_space<vmem>>) target_semaphore(%arg19 : memref<!tpu.dma_semaphore, #tpu.memory_space<semaphore_mem>>)
      } else {
      }
      %scan3A_80 = arith.constant 0 : i32
      scf.yield %scan3A_80 : i32
    }
    %scan3A_21 = arith.constant 16 : i32
    %add3A_22 = arith.constant 245760 : i32
    %add3A_23 = arith.addi %mul3A_2, %add3A_22 : i32
    %dma_wait3A = tpu.memref_slice %arg8[%add3A_23] : memref<8388608xf32, #tpu.memory_space<hbm>> -> memref<8192xf32, #tpu.memory_space<hbm>>
    %dma_wait3A_24 = tpu.memref_slice %arg8[%add3A_23] : memref<8388608xf32, #tpu.memory_space<hbm>> -> memref<8192xf32, #tpu.memory_space<hbm>>
    tpu.wait_dma2 semaphore(%arg20 : memref<!tpu.dma_semaphore, #tpu.memory_space<semaphore_mem>>) src(%arg16 : memref<8192xf32, #tpu.memory_space<vmem>>) dst(%dma_wait3A_24 : memref<8192xf32, #tpu.memory_space<hbm>>)
    %add3A_25 = arith.constant 253952 : i32
    %add3A_26 = arith.addi %mul3A_2, %add3A_25 : i32
    %dma_wait3A_27 = tpu.memref_slice %arg8[%add3A_26] : memref<8388608xf32, #tpu.memory_space<hbm>> -> memref<8192xf32, #tpu.memory_space<hbm>>
    %dma_wait3A_28 = tpu.memref_slice %arg8[%add3A_26] : memref<8388608xf32, #tpu.memory_space<hbm>> -> memref<8192xf32, #tpu.memory_space<hbm>>
    tpu.wait_dma2 semaphore(%arg21 : memref<!tpu.dma_semaphore, #tpu.memory_space<semaphore_mem>>) src(%arg17 : memref<8192xf32, #tpu.memory_space<vmem>>) dst(%dma_wait3A_28 : memref<8192xf32, #tpu.memory_space<hbm>>)
    return
  }
}

module attributes {stable_mosaic.version = 14 : i64} {
  func.func @_prep1_tc_body(%arg0: memref<1024xf32, #tpu.memory_space<vmem>>, %arg1: memref<1024xf32, #tpu.memory_space<vmem>>, %arg2: memref<1024xf32, #tpu.memory_space<vmem>>, %arg3: memref<1024xf32, #tpu.memory_space<vmem>>, %arg4: memref<1024xf32, #tpu.memory_space<vmem>>, %arg5: memref<1024xf32, #tpu.memory_space<vmem>>) attributes {dimension_semantics = [], scalar_prefetch = 0 : i64, scratch_operands = 0 : i64, tpu.core_type = #tpu.core_type<tc>} {
    %get3A = arith.constant 0 : index
    %get3A_0 = vector.load %arg0[%get3A] : memref<1024xf32, #tpu.memory_space<vmem>>, vector<1024xf32>
    %get3A_1 = arith.constant 0 : index
    %get3A_2 = vector.load %arg1[%get3A_1] : memref<1024xf32, #tpu.memory_space<vmem>>, vector<1024xf32>
    %broadcast_in_dim3A = arith.constant 0.000000e+00 : f32
    %broadcast_in_dim3A_3 = vector.broadcast %broadcast_in_dim3A : f32 to vector<1xf32>
    %slice3A = vector.extract_strided_slice %get3A_0 {offsets = [1], sizes = [1023], strides = [1]} : vector<1024xf32> to vector<1023xf32>
    %concatenate3A = tpu.concatenate %slice3A, %broadcast_in_dim3A_3 in 0 : vector<1023xf32>, vector<1xf32> -> vector<1024xf32>
    %sub3A = arith.subf %concatenate3A, %get3A_0 : vector<1024xf32>
    %gt3A = arith.constant 0.000000e+00 : f32
    %gt3A_4 = vector.broadcast %gt3A : f32 to vector<1024xf32>
    %gt3A_5 = arith.cmpf ogt, %sub3A, %gt3A_4 : vector<1024xf32>
    %slice3A_6 = vector.extract_strided_slice %get3A_2 {offsets = [1], sizes = [1023], strides = [1]} : vector<1024xf32> to vector<1023xf32>
    %concatenate3A_7 = tpu.concatenate %slice3A_6, %broadcast_in_dim3A_3 in 0 : vector<1023xf32>, vector<1xf32> -> vector<1024xf32>
    %sub3A_8 = arith.subf %concatenate3A_7, %get3A_2 : vector<1024xf32>
    %gt3A_9 = arith.constant 0.000000e+00 : f32
    %gt3A_10 = vector.broadcast %gt3A_9 : f32 to vector<1024xf32>
    %gt3A_11 = arith.cmpf ogt, %sub3A, %gt3A_10 : vector<1024xf32>
    %jit3A = arith.constant 1.000000e+00 : f32
    %broadcast_in_dim3A_12 = vector.broadcast %jit3A : f32 to vector<1024xf32>
    %select_n3A = arith.select %gt3A_11, %sub3A, %broadcast_in_dim3A_12 : vector<1024xi1>, vector<1024xf32>
    %div3A = arith.divf %sub3A_8, %select_n3A : vector<1024xf32>
    %jit3A_13 = arith.constant 0.000000e+00 : f32
    %broadcast_in_dim3A_14 = vector.broadcast %jit3A_13 : f32 to vector<1024xf32>
    %select_n3A_15 = arith.select %gt3A_5, %div3A, %broadcast_in_dim3A_14 : vector<1024xi1>, vector<1024xf32>
    %iota3A = tpu.iota {dimensions = array<i32: 1>} : vector<1x1024xi32>
    %iota3A_16 = vector.shape_cast %iota3A : vector<1x1024xi32> to vector<1024xi32>
    %ge3A = arith.constant 1 : i32
    %ge3A_17 = vector.broadcast %ge3A : i32 to vector<1024xi32>
    %ge3A_18 = arith.cmpi sge, %iota3A_16, %ge3A_17 : vector<1024xi32>
    %le3A = arith.constant 1022 : i32
    %le3A_19 = vector.broadcast %le3A : i32 to vector<1024xi32>
    %le3A_20 = arith.cmpi sle, %iota3A_16, %le3A_19 : vector<1024xi32>
    %and3A = arith.andi %ge3A_18, %le3A_20 : vector<1024xi1>
    %slice3A_21 = vector.extract_strided_slice %sub3A {offsets = [0], sizes = [1023], strides = [1]} : vector<1024xf32> to vector<1023xf32>
    %concatenate3A_22 = tpu.concatenate %broadcast_in_dim3A_3, %slice3A_21 in 0 : vector<1xf32>, vector<1023xf32> -> vector<1024xf32>
    %div3A_23 = arith.constant 6.000000e+00 : f32
    %div3A_24 = vector.broadcast %div3A_23 : f32 to vector<1024xf32>
    %div3A_25 = arith.divf %concatenate3A_22, %div3A_24 : vector<1024xf32>
    %jit3A_26 = arith.constant 0.000000e+00 : f32
    %broadcast_in_dim3A_27 = vector.broadcast %jit3A_26 : f32 to vector<1024xf32>
    %select_n3A_28 = arith.select %and3A, %div3A_25, %broadcast_in_dim3A_27 : vector<1024xi1>, vector<1024xf32>
    %div3A_29 = arith.constant 6.000000e+00 : f32
    %div3A_30 = vector.broadcast %div3A_29 : f32 to vector<1024xf32>
    %div3A_31 = arith.divf %sub3A, %div3A_30 : vector<1024xf32>
    %jit3A_32 = arith.constant 0.000000e+00 : f32
    %broadcast_in_dim3A_33 = vector.broadcast %jit3A_32 : f32 to vector<1024xf32>
    %select_n3A_34 = arith.select %and3A, %div3A_31, %broadcast_in_dim3A_33 : vector<1024xi1>, vector<1024xf32>
    %add3A = arith.addf %select_n3A_28, %select_n3A_34 : vector<1024xf32>
    %mul3A = arith.constant 2.000000e+00 : f32
    %mul3A_35 = vector.broadcast %mul3A : f32 to vector<1024xf32>
    %mul3A_36 = arith.mulf %mul3A_35, %add3A : vector<1024xf32>
    %jit3A_37 = arith.constant 1.000000e+00 : f32
    %broadcast_in_dim3A_38 = vector.broadcast %jit3A_37 : f32 to vector<1024xf32>
    %select_n3A_39 = arith.select %and3A, %mul3A_36, %broadcast_in_dim3A_38 : vector<1024xi1>, vector<1024xf32>
    %slice3A_40 = vector.extract_strided_slice %select_n3A_15 {offsets = [0], sizes = [1023], strides = [1]} : vector<1024xf32> to vector<1023xf32>
    %concatenate3A_41 = tpu.concatenate %broadcast_in_dim3A_3, %slice3A_40 in 0 : vector<1xf32>, vector<1023xf32> -> vector<1024xf32>
    %sub3A_42 = arith.subf %select_n3A_15, %concatenate3A_41 : vector<1024xf32>
    %jit3A_43 = arith.constant 0.000000e+00 : f32
    %broadcast_in_dim3A_44 = vector.broadcast %jit3A_43 : f32 to vector<1024xf32>
    %select_n3A_45 = arith.select %and3A, %sub3A_42, %broadcast_in_dim3A_44 : vector<1024xi1>, vector<1024xf32>
    %div3A_46 = arith.divf %select_n3A_45, %select_n3A_39 : vector<1024xf32>
    %slice3A_47 = vector.extract_strided_slice %div3A_46 {offsets = [0], sizes = [1023], strides = [1]} : vector<1024xf32> to vector<1023xf32>
    %concatenate3A_48 = tpu.concatenate %broadcast_in_dim3A_3, %slice3A_47 in 0 : vector<1xf32>, vector<1023xf32> -> vector<1024xf32>
    %mul3A_49 = arith.mulf %select_n3A_28, %concatenate3A_48 : vector<1024xf32>
    %sub3A_50 = arith.subf %select_n3A_45, %mul3A_49 : vector<1024xf32>
    %slice3A_51 = vector.extract_strided_slice %div3A_46 {offsets = [1], sizes = [1023], strides = [1]} : vector<1024xf32> to vector<1023xf32>
    %concatenate3A_52 = tpu.concatenate %slice3A_51, %broadcast_in_dim3A_3 in 0 : vector<1023xf32>, vector<1xf32> -> vector<1024xf32>
    %mul3A_53 = arith.mulf %select_n3A_34, %concatenate3A_52 : vector<1024xf32>
    %sub3A_54 = arith.subf %sub3A_50, %mul3A_53 : vector<1024xf32>
    %div3A_55 = arith.divf %sub3A_54, %select_n3A_39 : vector<1024xf32>
    %slice3A_56 = vector.extract_strided_slice %div3A_55 {offsets = [0], sizes = [1023], strides = [1]} : vector<1024xf32> to vector<1023xf32>
    %concatenate3A_57 = tpu.concatenate %broadcast_in_dim3A_3, %slice3A_56 in 0 : vector<1xf32>, vector<1023xf32> -> vector<1024xf32>
    %mul3A_58 = arith.mulf %select_n3A_28, %concatenate3A_57 : vector<1024xf32>
    %sub3A_59 = arith.subf %select_n3A_45, %mul3A_58 : vector<1024xf32>
    %slice3A_60 = vector.extract_strided_slice %div3A_55 {offsets = [1], sizes = [1023], strides = [1]} : vector<1024xf32> to vector<1023xf32>
    %concatenate3A_61 = tpu.concatenate %slice3A_60, %broadcast_in_dim3A_3 in 0 : vector<1023xf32>, vector<1xf32> -> vector<1024xf32>
    %mul3A_62 = arith.mulf %select_n3A_34, %concatenate3A_61 : vector<1024xf32>
    %sub3A_63 = arith.subf %sub3A_59, %mul3A_62 : vector<1024xf32>
    %div3A_64 = arith.divf %sub3A_63, %select_n3A_39 : vector<1024xf32>
    %slice3A_65 = vector.extract_strided_slice %div3A_64 {offsets = [0], sizes = [1023], strides = [1]} : vector<1024xf32> to vector<1023xf32>
    %concatenate3A_66 = tpu.concatenate %broadcast_in_dim3A_3, %slice3A_65 in 0 : vector<1xf32>, vector<1023xf32> -> vector<1024xf32>
    %mul3A_67 = arith.mulf %select_n3A_28, %concatenate3A_66 : vector<1024xf32>
    %sub3A_68 = arith.subf %select_n3A_45, %mul3A_67 : vector<1024xf32>
    %slice3A_69 = vector.extract_strided_slice %div3A_64 {offsets = [1], sizes = [1023], strides = [1]} : vector<1024xf32> to vector<1023xf32>
    %concatenate3A_70 = tpu.concatenate %slice3A_69, %broadcast_in_dim3A_3 in 0 : vector<1023xf32>, vector<1xf32> -> vector<1024xf32>
    %mul3A_71 = arith.mulf %select_n3A_34, %concatenate3A_70 : vector<1024xf32>
    %sub3A_72 = arith.subf %sub3A_68, %mul3A_71 : vector<1024xf32>
    %div3A_73 = arith.divf %sub3A_72, %select_n3A_39 : vector<1024xf32>
    %slice3A_74 = vector.extract_strided_slice %div3A_73 {offsets = [0], sizes = [1023], strides = [1]} : vector<1024xf32> to vector<1023xf32>
    %concatenate3A_75 = tpu.concatenate %broadcast_in_dim3A_3, %slice3A_74 in 0 : vector<1xf32>, vector<1023xf32> -> vector<1024xf32>
    %mul3A_76 = arith.mulf %select_n3A_28, %concatenate3A_75 : vector<1024xf32>
    %sub3A_77 = arith.subf %select_n3A_45, %mul3A_76 : vector<1024xf32>
    %slice3A_78 = vector.extract_strided_slice %div3A_73 {offsets = [1], sizes = [1023], strides = [1]} : vector<1024xf32> to vector<1023xf32>
    %concatenate3A_79 = tpu.concatenate %slice3A_78, %broadcast_in_dim3A_3 in 0 : vector<1023xf32>, vector<1xf32> -> vector<1024xf32>
    %mul3A_80 = arith.mulf %select_n3A_34, %concatenate3A_79 : vector<1024xf32>
    %sub3A_81 = arith.subf %sub3A_77, %mul3A_80 : vector<1024xf32>
    %div3A_82 = arith.divf %sub3A_81, %select_n3A_39 : vector<1024xf32>
    %slice3A_83 = vector.extract_strided_slice %div3A_82 {offsets = [0], sizes = [1023], strides = [1]} : vector<1024xf32> to vector<1023xf32>
    %concatenate3A_84 = tpu.concatenate %broadcast_in_dim3A_3, %slice3A_83 in 0 : vector<1xf32>, vector<1023xf32> -> vector<1024xf32>
    %mul3A_85 = arith.mulf %select_n3A_28, %concatenate3A_84 : vector<1024xf32>
    %sub3A_86 = arith.subf %select_n3A_45, %mul3A_85 : vector<1024xf32>
    %slice3A_87 = vector.extract_strided_slice %div3A_82 {offsets = [1], sizes = [1023], strides = [1]} : vector<1024xf32> to vector<1023xf32>
    %concatenate3A_88 = tpu.concatenate %slice3A_87, %broadcast_in_dim3A_3 in 0 : vector<1023xf32>, vector<1xf32> -> vector<1024xf32>
    %mul3A_89 = arith.mulf %select_n3A_34, %concatenate3A_88 : vector<1024xf32>
    %sub3A_90 = arith.subf %sub3A_86, %mul3A_89 : vector<1024xf32>
    %div3A_91 = arith.divf %sub3A_90, %select_n3A_39 : vector<1024xf32>
    %slice3A_92 = vector.extract_strided_slice %div3A_91 {offsets = [0], sizes = [1023], strides = [1]} : vector<1024xf32> to vector<1023xf32>
    %concatenate3A_93 = tpu.concatenate %broadcast_in_dim3A_3, %slice3A_92 in 0 : vector<1xf32>, vector<1023xf32> -> vector<1024xf32>
    %mul3A_94 = arith.mulf %select_n3A_28, %concatenate3A_93 : vector<1024xf32>
    %sub3A_95 = arith.subf %select_n3A_45, %mul3A_94 : vector<1024xf32>
    %slice3A_96 = vector.extract_strided_slice %div3A_91 {offsets = [1], sizes = [1023], strides = [1]} : vector<1024xf32> to vector<1023xf32>
    %concatenate3A_97 = tpu.concatenate %slice3A_96, %broadcast_in_dim3A_3 in 0 : vector<1023xf32>, vector<1xf32> -> vector<1024xf32>
    %mul3A_98 = arith.mulf %select_n3A_34, %concatenate3A_97 : vector<1024xf32>
    %sub3A_99 = arith.subf %sub3A_95, %mul3A_98 : vector<1024xf32>
    %div3A_100 = arith.divf %sub3A_99, %select_n3A_39 : vector<1024xf32>
    %slice3A_101 = vector.extract_strided_slice %div3A_100 {offsets = [0], sizes = [1023], strides = [1]} : vector<1024xf32> to vector<1023xf32>
    %concatenate3A_102 = tpu.concatenate %broadcast_in_dim3A_3, %slice3A_101 in 0 : vector<1xf32>, vector<1023xf32> -> vector<1024xf32>
    %mul3A_103 = arith.mulf %select_n3A_28, %concatenate3A_102 : vector<1024xf32>
    %sub3A_104 = arith.subf %select_n3A_45, %mul3A_103 : vector<1024xf32>
    %slice3A_105 = vector.extract_strided_slice %div3A_100 {offsets = [1], sizes = [1023], strides = [1]} : vector<1024xf32> to vector<1023xf32>
    %concatenate3A_106 = tpu.concatenate %slice3A_105, %broadcast_in_dim3A_3 in 0 : vector<1023xf32>, vector<1xf32> -> vector<1024xf32>
    %mul3A_107 = arith.mulf %select_n3A_34, %concatenate3A_106 : vector<1024xf32>
    %sub3A_108 = arith.subf %sub3A_104, %mul3A_107 : vector<1024xf32>
    %div3A_109 = arith.divf %sub3A_108, %select_n3A_39 : vector<1024xf32>
    %slice3A_110 = vector.extract_strided_slice %div3A_109 {offsets = [0], sizes = [1023], strides = [1]} : vector<1024xf32> to vector<1023xf32>
    %concatenate3A_111 = tpu.concatenate %broadcast_in_dim3A_3, %slice3A_110 in 0 : vector<1xf32>, vector<1023xf32> -> vector<1024xf32>
    %mul3A_112 = arith.mulf %select_n3A_28, %concatenate3A_111 : vector<1024xf32>
    %sub3A_113 = arith.subf %select_n3A_45, %mul3A_112 : vector<1024xf32>
    %slice3A_114 = vector.extract_strided_slice %div3A_109 {offsets = [1], sizes = [1023], strides = [1]} : vector<1024xf32> to vector<1023xf32>
    %concatenate3A_115 = tpu.concatenate %slice3A_114, %broadcast_in_dim3A_3 in 0 : vector<1023xf32>, vector<1xf32> -> vector<1024xf32>
    %mul3A_116 = arith.mulf %select_n3A_34, %concatenate3A_115 : vector<1024xf32>
    %sub3A_117 = arith.subf %sub3A_113, %mul3A_116 : vector<1024xf32>
    %div3A_118 = arith.divf %sub3A_117, %select_n3A_39 : vector<1024xf32>
    %slice3A_119 = vector.extract_strided_slice %div3A_118 {offsets = [0], sizes = [1023], strides = [1]} : vector<1024xf32> to vector<1023xf32>
    %concatenate3A_120 = tpu.concatenate %broadcast_in_dim3A_3, %slice3A_119 in 0 : vector<1xf32>, vector<1023xf32> -> vector<1024xf32>
    %mul3A_121 = arith.mulf %select_n3A_28, %concatenate3A_120 : vector<1024xf32>
    %sub3A_122 = arith.subf %select_n3A_45, %mul3A_121 : vector<1024xf32>
    %slice3A_123 = vector.extract_strided_slice %div3A_118 {offsets = [1], sizes = [1023], strides = [1]} : vector<1024xf32> to vector<1023xf32>
    %concatenate3A_124 = tpu.concatenate %slice3A_123, %broadcast_in_dim3A_3 in 0 : vector<1023xf32>, vector<1xf32> -> vector<1024xf32>
    %mul3A_125 = arith.mulf %select_n3A_34, %concatenate3A_124 : vector<1024xf32>
    %sub3A_126 = arith.subf %sub3A_122, %mul3A_125 : vector<1024xf32>
    %div3A_127 = arith.divf %sub3A_126, %select_n3A_39 : vector<1024xf32>
    %slice3A_128 = vector.extract_strided_slice %div3A_127 {offsets = [0], sizes = [1023], strides = [1]} : vector<1024xf32> to vector<1023xf32>
    %concatenate3A_129 = tpu.concatenate %broadcast_in_dim3A_3, %slice3A_128 in 0 : vector<1xf32>, vector<1023xf32> -> vector<1024xf32>
    %mul3A_130 = arith.mulf %select_n3A_28, %concatenate3A_129 : vector<1024xf32>
    %sub3A_131 = arith.subf %select_n3A_45, %mul3A_130 : vector<1024xf32>
    %slice3A_132 = vector.extract_strided_slice %div3A_127 {offsets = [1], sizes = [1023], strides = [1]} : vector<1024xf32> to vector<1023xf32>
    %concatenate3A_133 = tpu.concatenate %slice3A_132, %broadcast_in_dim3A_3 in 0 : vector<1023xf32>, vector<1xf32> -> vector<1024xf32>
    %mul3A_134 = arith.mulf %select_n3A_34, %concatenate3A_133 : vector<1024xf32>
    %sub3A_135 = arith.subf %sub3A_131, %mul3A_134 : vector<1024xf32>
    %div3A_136 = arith.divf %sub3A_135, %select_n3A_39 : vector<1024xf32>
    %slice3A_137 = vector.extract_strided_slice %div3A_136 {offsets = [0], sizes = [1023], strides = [1]} : vector<1024xf32> to vector<1023xf32>
    %concatenate3A_138 = tpu.concatenate %broadcast_in_dim3A_3, %slice3A_137 in 0 : vector<1xf32>, vector<1023xf32> -> vector<1024xf32>
    %mul3A_139 = arith.mulf %select_n3A_28, %concatenate3A_138 : vector<1024xf32>
    %sub3A_140 = arith.subf %select_n3A_45, %mul3A_139 : vector<1024xf32>
    %slice3A_141 = vector.extract_strided_slice %div3A_136 {offsets = [1], sizes = [1023], strides = [1]} : vector<1024xf32> to vector<1023xf32>
    %concatenate3A_142 = tpu.concatenate %slice3A_141, %broadcast_in_dim3A_3 in 0 : vector<1023xf32>, vector<1xf32> -> vector<1024xf32>
    %mul3A_143 = arith.mulf %select_n3A_34, %concatenate3A_142 : vector<1024xf32>
    %sub3A_144 = arith.subf %sub3A_140, %mul3A_143 : vector<1024xf32>
    %div3A_145 = arith.divf %sub3A_144, %select_n3A_39 : vector<1024xf32>
    %slice3A_146 = vector.extract_strided_slice %div3A_145 {offsets = [0], sizes = [1023], strides = [1]} : vector<1024xf32> to vector<1023xf32>
    %concatenate3A_147 = tpu.concatenate %broadcast_in_dim3A_3, %slice3A_146 in 0 : vector<1xf32>, vector<1023xf32> -> vector<1024xf32>
    %mul3A_148 = arith.mulf %select_n3A_28, %concatenate3A_147 : vector<1024xf32>
    %sub3A_149 = arith.subf %select_n3A_45, %mul3A_148 : vector<1024xf32>
    %slice3A_150 = vector.extract_strided_slice %div3A_145 {offsets = [1], sizes = [1023], strides = [1]} : vector<1024xf32> to vector<1023xf32>
    %concatenate3A_151 = tpu.concatenate %slice3A_150, %broadcast_in_dim3A_3 in 0 : vector<1023xf32>, vector<1xf32> -> vector<1024xf32>
    %mul3A_152 = arith.mulf %select_n3A_34, %concatenate3A_151 : vector<1024xf32>
    %sub3A_153 = arith.subf %sub3A_149, %mul3A_152 : vector<1024xf32>
    %div3A_154 = arith.divf %sub3A_153, %select_n3A_39 : vector<1024xf32>
    %slice3A_155 = vector.extract_strided_slice %div3A_154 {offsets = [0], sizes = [1023], strides = [1]} : vector<1024xf32> to vector<1023xf32>
    %concatenate3A_156 = tpu.concatenate %broadcast_in_dim3A_3, %slice3A_155 in 0 : vector<1xf32>, vector<1023xf32> -> vector<1024xf32>
    %mul3A_157 = arith.mulf %select_n3A_28, %concatenate3A_156 : vector<1024xf32>
    %sub3A_158 = arith.subf %select_n3A_45, %mul3A_157 : vector<1024xf32>
    %slice3A_159 = vector.extract_strided_slice %div3A_154 {offsets = [1], sizes = [1023], strides = [1]} : vector<1024xf32> to vector<1023xf32>
    %concatenate3A_160 = tpu.concatenate %slice3A_159, %broadcast_in_dim3A_3 in 0 : vector<1023xf32>, vector<1xf32> -> vector<1024xf32>
    %mul3A_161 = arith.mulf %select_n3A_34, %concatenate3A_160 : vector<1024xf32>
    %sub3A_162 = arith.subf %sub3A_158, %mul3A_161 : vector<1024xf32>
    %div3A_163 = arith.divf %sub3A_162, %select_n3A_39 : vector<1024xf32>
    %slice3A_164 = vector.extract_strided_slice %div3A_163 {offsets = [0], sizes = [1023], strides = [1]} : vector<1024xf32> to vector<1023xf32>
    %concatenate3A_165 = tpu.concatenate %broadcast_in_dim3A_3, %slice3A_164 in 0 : vector<1xf32>, vector<1023xf32> -> vector<1024xf32>
    %mul3A_166 = arith.mulf %select_n3A_28, %concatenate3A_165 : vector<1024xf32>
    %sub3A_167 = arith.subf %select_n3A_45, %mul3A_166 : vector<1024xf32>
    %slice3A_168 = vector.extract_strided_slice %div3A_163 {offsets = [1], sizes = [1023], strides = [1]} : vector<1024xf32> to vector<1023xf32>
    %concatenate3A_169 = tpu.concatenate %slice3A_168, %broadcast_in_dim3A_3 in 0 : vector<1023xf32>, vector<1xf32> -> vector<1024xf32>
    %mul3A_170 = arith.mulf %select_n3A_34, %concatenate3A_169 : vector<1024xf32>
    %sub3A_171 = arith.subf %sub3A_167, %mul3A_170 : vector<1024xf32>
    %div3A_172 = arith.divf %sub3A_171, %select_n3A_39 : vector<1024xf32>
    %slice3A_173 = vector.extract_strided_slice %div3A_172 {offsets = [0], sizes = [1023], strides = [1]} : vector<1024xf32> to vector<1023xf32>
    %concatenate3A_174 = tpu.concatenate %broadcast_in_dim3A_3, %slice3A_173 in 0 : vector<1xf32>, vector<1023xf32> -> vector<1024xf32>
    %mul3A_175 = arith.mulf %select_n3A_28, %concatenate3A_174 : vector<1024xf32>
    %sub3A_176 = arith.subf %select_n3A_45, %mul3A_175 : vector<1024xf32>
    %slice3A_177 = vector.extract_strided_slice %div3A_172 {offsets = [1], sizes = [1023], strides = [1]} : vector<1024xf32> to vector<1023xf32>
    %concatenate3A_178 = tpu.concatenate %slice3A_177, %broadcast_in_dim3A_3 in 0 : vector<1023xf32>, vector<1xf32> -> vector<1024xf32>
    %mul3A_179 = arith.mulf %select_n3A_34, %concatenate3A_178 : vector<1024xf32>
    %sub3A_180 = arith.subf %sub3A_176, %mul3A_179 : vector<1024xf32>
    %div3A_181 = arith.divf %sub3A_180, %select_n3A_39 : vector<1024xf32>
    %slice3A_182 = vector.extract_strided_slice %div3A_181 {offsets = [0], sizes = [1023], strides = [1]} : vector<1024xf32> to vector<1023xf32>
    %concatenate3A_183 = tpu.concatenate %broadcast_in_dim3A_3, %slice3A_182 in 0 : vector<1xf32>, vector<1023xf32> -> vector<1024xf32>
    %mul3A_184 = arith.mulf %select_n3A_28, %concatenate3A_183 : vector<1024xf32>
    %sub3A_185 = arith.subf %select_n3A_45, %mul3A_184 : vector<1024xf32>
    %slice3A_186 = vector.extract_strided_slice %div3A_181 {offsets = [1], sizes = [1023], strides = [1]} : vector<1024xf32> to vector<1023xf32>
    %concatenate3A_187 = tpu.concatenate %slice3A_186, %broadcast_in_dim3A_3 in 0 : vector<1023xf32>, vector<1xf32> -> vector<1024xf32>
    %mul3A_188 = arith.mulf %select_n3A_34, %concatenate3A_187 : vector<1024xf32>
    %sub3A_189 = arith.subf %sub3A_185, %mul3A_188 : vector<1024xf32>
    %div3A_190 = arith.divf %sub3A_189, %select_n3A_39 : vector<1024xf32>
    %slice3A_191 = vector.extract_strided_slice %div3A_190 {offsets = [0], sizes = [1023], strides = [1]} : vector<1024xf32> to vector<1023xf32>
    %concatenate3A_192 = tpu.concatenate %broadcast_in_dim3A_3, %slice3A_191 in 0 : vector<1xf32>, vector<1023xf32> -> vector<1024xf32>
    %mul3A_193 = arith.mulf %select_n3A_28, %concatenate3A_192 : vector<1024xf32>
    %sub3A_194 = arith.subf %select_n3A_45, %mul3A_193 : vector<1024xf32>
    %slice3A_195 = vector.extract_strided_slice %div3A_190 {offsets = [1], sizes = [1023], strides = [1]} : vector<1024xf32> to vector<1023xf32>
    %concatenate3A_196 = tpu.concatenate %slice3A_195, %broadcast_in_dim3A_3 in 0 : vector<1023xf32>, vector<1xf32> -> vector<1024xf32>
    %mul3A_197 = arith.mulf %select_n3A_34, %concatenate3A_196 : vector<1024xf32>
    %sub3A_198 = arith.subf %sub3A_194, %mul3A_197 : vector<1024xf32>
    %div3A_199 = arith.divf %sub3A_198, %select_n3A_39 : vector<1024xf32>
    %slice3A_200 = vector.extract_strided_slice %div3A_199 {offsets = [0], sizes = [1023], strides = [1]} : vector<1024xf32> to vector<1023xf32>
    %concatenate3A_201 = tpu.concatenate %broadcast_in_dim3A_3, %slice3A_200 in 0 : vector<1xf32>, vector<1023xf32> -> vector<1024xf32>
    %mul3A_202 = arith.mulf %select_n3A_28, %concatenate3A_201 : vector<1024xf32>
    %sub3A_203 = arith.subf %select_n3A_45, %mul3A_202 : vector<1024xf32>
    %slice3A_204 = vector.extract_strided_slice %div3A_199 {offsets = [1], sizes = [1023], strides = [1]} : vector<1024xf32> to vector<1023xf32>
    %concatenate3A_205 = tpu.concatenate %slice3A_204, %broadcast_in_dim3A_3 in 0 : vector<1023xf32>, vector<1xf32> -> vector<1024xf32>
    %mul3A_206 = arith.mulf %select_n3A_34, %concatenate3A_205 : vector<1024xf32>
    %sub3A_207 = arith.subf %sub3A_203, %mul3A_206 : vector<1024xf32>
    %div3A_208 = arith.divf %sub3A_207, %select_n3A_39 : vector<1024xf32>
    %slice3A_209 = vector.extract_strided_slice %div3A_208 {offsets = [0], sizes = [1023], strides = [1]} : vector<1024xf32> to vector<1023xf32>
    %concatenate3A_210 = tpu.concatenate %broadcast_in_dim3A_3, %slice3A_209 in 0 : vector<1xf32>, vector<1023xf32> -> vector<1024xf32>
    %mul3A_211 = arith.mulf %select_n3A_28, %concatenate3A_210 : vector<1024xf32>
    %sub3A_212 = arith.subf %select_n3A_45, %mul3A_211 : vector<1024xf32>
    %slice3A_213 = vector.extract_strided_slice %div3A_208 {offsets = [1], sizes = [1023], strides = [1]} : vector<1024xf32> to vector<1023xf32>
    %concatenate3A_214 = tpu.concatenate %slice3A_213, %broadcast_in_dim3A_3 in 0 : vector<1023xf32>, vector<1xf32> -> vector<1024xf32>
    %mul3A_215 = arith.mulf %select_n3A_34, %concatenate3A_214 : vector<1024xf32>
    %sub3A_216 = arith.subf %sub3A_212, %mul3A_215 : vector<1024xf32>
    %div3A_217 = arith.divf %sub3A_216, %select_n3A_39 : vector<1024xf32>
    %slice3A_218 = vector.extract_strided_slice %div3A_217 {offsets = [0], sizes = [1023], strides = [1]} : vector<1024xf32> to vector<1023xf32>
    %concatenate3A_219 = tpu.concatenate %broadcast_in_dim3A_3, %slice3A_218 in 0 : vector<1xf32>, vector<1023xf32> -> vector<1024xf32>
    %mul3A_220 = arith.mulf %select_n3A_28, %concatenate3A_219 : vector<1024xf32>
    %sub3A_221 = arith.subf %select_n3A_45, %mul3A_220 : vector<1024xf32>
    %slice3A_222 = vector.extract_strided_slice %div3A_217 {offsets = [1], sizes = [1023], strides = [1]} : vector<1024xf32> to vector<1023xf32>
    %concatenate3A_223 = tpu.concatenate %slice3A_222, %broadcast_in_dim3A_3 in 0 : vector<1023xf32>, vector<1xf32> -> vector<1024xf32>
    %mul3A_224 = arith.mulf %select_n3A_34, %concatenate3A_223 : vector<1024xf32>
    %sub3A_225 = arith.subf %sub3A_221, %mul3A_224 : vector<1024xf32>
    %div3A_226 = arith.divf %sub3A_225, %select_n3A_39 : vector<1024xf32>
    %slice3A_227 = vector.extract_strided_slice %div3A_226 {offsets = [0], sizes = [1023], strides = [1]} : vector<1024xf32> to vector<1023xf32>
    %concatenate3A_228 = tpu.concatenate %broadcast_in_dim3A_3, %slice3A_227 in 0 : vector<1xf32>, vector<1023xf32> -> vector<1024xf32>
    %mul3A_229 = arith.mulf %select_n3A_28, %concatenate3A_228 : vector<1024xf32>
    %sub3A_230 = arith.subf %select_n3A_45, %mul3A_229 : vector<1024xf32>
    %slice3A_231 = vector.extract_strided_slice %div3A_226 {offsets = [1], sizes = [1023], strides = [1]} : vector<1024xf32> to vector<1023xf32>
    %concatenate3A_232 = tpu.concatenate %slice3A_231, %broadcast_in_dim3A_3 in 0 : vector<1023xf32>, vector<1xf32> -> vector<1024xf32>
    %mul3A_233 = arith.mulf %select_n3A_34, %concatenate3A_232 : vector<1024xf32>
    %sub3A_234 = arith.subf %sub3A_230, %mul3A_233 : vector<1024xf32>
    %div3A_235 = arith.divf %sub3A_234, %select_n3A_39 : vector<1024xf32>
    %slice3A_236 = vector.extract_strided_slice %div3A_235 {offsets = [0], sizes = [1023], strides = [1]} : vector<1024xf32> to vector<1023xf32>
    %concatenate3A_237 = tpu.concatenate %broadcast_in_dim3A_3, %slice3A_236 in 0 : vector<1xf32>, vector<1023xf32> -> vector<1024xf32>
    %mul3A_238 = arith.mulf %select_n3A_28, %concatenate3A_237 : vector<1024xf32>
    %sub3A_239 = arith.subf %select_n3A_45, %mul3A_238 : vector<1024xf32>
    %slice3A_240 = vector.extract_strided_slice %div3A_235 {offsets = [1], sizes = [1023], strides = [1]} : vector<1024xf32> to vector<1023xf32>
    %concatenate3A_241 = tpu.concatenate %slice3A_240, %broadcast_in_dim3A_3 in 0 : vector<1023xf32>, vector<1xf32> -> vector<1024xf32>
    %mul3A_242 = arith.mulf %select_n3A_34, %concatenate3A_241 : vector<1024xf32>
    %sub3A_243 = arith.subf %sub3A_239, %mul3A_242 : vector<1024xf32>
    %div3A_244 = arith.divf %sub3A_243, %select_n3A_39 : vector<1024xf32>
    %slice3A_245 = vector.extract_strided_slice %div3A_244 {offsets = [0], sizes = [1023], strides = [1]} : vector<1024xf32> to vector<1023xf32>
    %concatenate3A_246 = tpu.concatenate %broadcast_in_dim3A_3, %slice3A_245 in 0 : vector<1xf32>, vector<1023xf32> -> vector<1024xf32>
    %mul3A_247 = arith.mulf %select_n3A_28, %concatenate3A_246 : vector<1024xf32>
    %sub3A_248 = arith.subf %select_n3A_45, %mul3A_247 : vector<1024xf32>
    %slice3A_249 = vector.extract_strided_slice %div3A_244 {offsets = [1], sizes = [1023], strides = [1]} : vector<1024xf32> to vector<1023xf32>
    %concatenate3A_250 = tpu.concatenate %slice3A_249, %broadcast_in_dim3A_3 in 0 : vector<1023xf32>, vector<1xf32> -> vector<1024xf32>
    %mul3A_251 = arith.mulf %select_n3A_34, %concatenate3A_250 : vector<1024xf32>
    %sub3A_252 = arith.subf %sub3A_248, %mul3A_251 : vector<1024xf32>
    %div3A_253 = arith.divf %sub3A_252, %select_n3A_39 : vector<1024xf32>
    %slice3A_254 = vector.extract_strided_slice %div3A_253 {offsets = [0], sizes = [1023], strides = [1]} : vector<1024xf32> to vector<1023xf32>
    %concatenate3A_255 = tpu.concatenate %broadcast_in_dim3A_3, %slice3A_254 in 0 : vector<1xf32>, vector<1023xf32> -> vector<1024xf32>
    %mul3A_256 = arith.mulf %select_n3A_28, %concatenate3A_255 : vector<1024xf32>
    %sub3A_257 = arith.subf %select_n3A_45, %mul3A_256 : vector<1024xf32>
    %slice3A_258 = vector.extract_strided_slice %div3A_253 {offsets = [1], sizes = [1023], strides = [1]} : vector<1024xf32> to vector<1023xf32>
    %concatenate3A_259 = tpu.concatenate %slice3A_258, %broadcast_in_dim3A_3 in 0 : vector<1023xf32>, vector<1xf32> -> vector<1024xf32>
    %mul3A_260 = arith.mulf %select_n3A_34, %concatenate3A_259 : vector<1024xf32>
    %sub3A_261 = arith.subf %sub3A_257, %mul3A_260 : vector<1024xf32>
    %div3A_262 = arith.divf %sub3A_261, %select_n3A_39 : vector<1024xf32>
    %slice3A_263 = vector.extract_strided_slice %div3A_262 {offsets = [0], sizes = [1023], strides = [1]} : vector<1024xf32> to vector<1023xf32>
    %concatenate3A_264 = tpu.concatenate %broadcast_in_dim3A_3, %slice3A_263 in 0 : vector<1xf32>, vector<1023xf32> -> vector<1024xf32>
    %mul3A_265 = arith.mulf %select_n3A_28, %concatenate3A_264 : vector<1024xf32>
    %sub3A_266 = arith.subf %select_n3A_45, %mul3A_265 : vector<1024xf32>
    %slice3A_267 = vector.extract_strided_slice %div3A_262 {offsets = [1], sizes = [1023], strides = [1]} : vector<1024xf32> to vector<1023xf32>
    %concatenate3A_268 = tpu.concatenate %slice3A_267, %broadcast_in_dim3A_3 in 0 : vector<1023xf32>, vector<1xf32> -> vector<1024xf32>
    %mul3A_269 = arith.mulf %select_n3A_34, %concatenate3A_268 : vector<1024xf32>
    %sub3A_270 = arith.subf %sub3A_266, %mul3A_269 : vector<1024xf32>
    %div3A_271 = arith.divf %sub3A_270, %select_n3A_39 : vector<1024xf32>
    %slice3A_272 = vector.extract_strided_slice %div3A_271 {offsets = [0], sizes = [1023], strides = [1]} : vector<1024xf32> to vector<1023xf32>
    %concatenate3A_273 = tpu.concatenate %broadcast_in_dim3A_3, %slice3A_272 in 0 : vector<1xf32>, vector<1023xf32> -> vector<1024xf32>
    %mul3A_274 = arith.mulf %select_n3A_28, %concatenate3A_273 : vector<1024xf32>
    %sub3A_275 = arith.subf %select_n3A_45, %mul3A_274 : vector<1024xf32>
    %slice3A_276 = vector.extract_strided_slice %div3A_271 {offsets = [1], sizes = [1023], strides = [1]} : vector<1024xf32> to vector<1023xf32>
    %concatenate3A_277 = tpu.concatenate %slice3A_276, %broadcast_in_dim3A_3 in 0 : vector<1023xf32>, vector<1xf32> -> vector<1024xf32>
    %mul3A_278 = arith.mulf %select_n3A_34, %concatenate3A_277 : vector<1024xf32>
    %sub3A_279 = arith.subf %sub3A_275, %mul3A_278 : vector<1024xf32>
    %div3A_280 = arith.divf %sub3A_279, %select_n3A_39 : vector<1024xf32>
    %slice3A_281 = vector.extract_strided_slice %div3A_280 {offsets = [0], sizes = [1023], strides = [1]} : vector<1024xf32> to vector<1023xf32>
    %concatenate3A_282 = tpu.concatenate %broadcast_in_dim3A_3, %slice3A_281 in 0 : vector<1xf32>, vector<1023xf32> -> vector<1024xf32>
    %mul3A_283 = arith.mulf %select_n3A_28, %concatenate3A_282 : vector<1024xf32>
    %sub3A_284 = arith.subf %select_n3A_45, %mul3A_283 : vector<1024xf32>
    %slice3A_285 = vector.extract_strided_slice %div3A_280 {offsets = [1], sizes = [1023], strides = [1]} : vector<1024xf32> to vector<1023xf32>
    %concatenate3A_286 = tpu.concatenate %slice3A_285, %broadcast_in_dim3A_3 in 0 : vector<1023xf32>, vector<1xf32> -> vector<1024xf32>
    %mul3A_287 = arith.mulf %select_n3A_34, %concatenate3A_286 : vector<1024xf32>
    %sub3A_288 = arith.subf %sub3A_284, %mul3A_287 : vector<1024xf32>
    %div3A_289 = arith.divf %sub3A_288, %select_n3A_39 : vector<1024xf32>
    %slice3A_290 = vector.extract_strided_slice %div3A_289 {offsets = [0], sizes = [1023], strides = [1]} : vector<1024xf32> to vector<1023xf32>
    %concatenate3A_291 = tpu.concatenate %broadcast_in_dim3A_3, %slice3A_290 in 0 : vector<1xf32>, vector<1023xf32> -> vector<1024xf32>
    %mul3A_292 = arith.mulf %select_n3A_28, %concatenate3A_291 : vector<1024xf32>
    %sub3A_293 = arith.subf %select_n3A_45, %mul3A_292 : vector<1024xf32>
    %slice3A_294 = vector.extract_strided_slice %div3A_289 {offsets = [1], sizes = [1023], strides = [1]} : vector<1024xf32> to vector<1023xf32>
    %concatenate3A_295 = tpu.concatenate %slice3A_294, %broadcast_in_dim3A_3 in 0 : vector<1023xf32>, vector<1xf32> -> vector<1024xf32>
    %mul3A_296 = arith.mulf %select_n3A_34, %concatenate3A_295 : vector<1024xf32>
    %sub3A_297 = arith.subf %sub3A_293, %mul3A_296 : vector<1024xf32>
    %div3A_298 = arith.divf %sub3A_297, %select_n3A_39 : vector<1024xf32>
    %slice3A_299 = vector.extract_strided_slice %div3A_298 {offsets = [0], sizes = [1023], strides = [1]} : vector<1024xf32> to vector<1023xf32>
    %concatenate3A_300 = tpu.concatenate %broadcast_in_dim3A_3, %slice3A_299 in 0 : vector<1xf32>, vector<1023xf32> -> vector<1024xf32>
    %mul3A_301 = arith.mulf %select_n3A_28, %concatenate3A_300 : vector<1024xf32>
    %sub3A_302 = arith.subf %select_n3A_45, %mul3A_301 : vector<1024xf32>
    %slice3A_303 = vector.extract_strided_slice %div3A_298 {offsets = [1], sizes = [1023], strides = [1]} : vector<1024xf32> to vector<1023xf32>
    %concatenate3A_304 = tpu.concatenate %slice3A_303, %broadcast_in_dim3A_3 in 0 : vector<1023xf32>, vector<1xf32> -> vector<1024xf32>
    %mul3A_305 = arith.mulf %select_n3A_34, %concatenate3A_304 : vector<1024xf32>
    %sub3A_306 = arith.subf %sub3A_302, %mul3A_305 : vector<1024xf32>
    %div3A_307 = arith.divf %sub3A_306, %select_n3A_39 : vector<1024xf32>
    %slice3A_308 = vector.extract_strided_slice %div3A_307 {offsets = [0], sizes = [1023], strides = [1]} : vector<1024xf32> to vector<1023xf32>
    %concatenate3A_309 = tpu.concatenate %broadcast_in_dim3A_3, %slice3A_308 in 0 : vector<1xf32>, vector<1023xf32> -> vector<1024xf32>
    %mul3A_310 = arith.mulf %select_n3A_28, %concatenate3A_309 : vector<1024xf32>
    %sub3A_311 = arith.subf %select_n3A_45, %mul3A_310 : vector<1024xf32>
    %slice3A_312 = vector.extract_strided_slice %div3A_307 {offsets = [1], sizes = [1023], strides = [1]} : vector<1024xf32> to vector<1023xf32>
    %concatenate3A_313 = tpu.concatenate %slice3A_312, %broadcast_in_dim3A_3 in 0 : vector<1023xf32>, vector<1xf32> -> vector<1024xf32>
    %mul3A_314 = arith.mulf %select_n3A_34, %concatenate3A_313 : vector<1024xf32>
    %sub3A_315 = arith.subf %sub3A_311, %mul3A_314 : vector<1024xf32>
    %div3A_316 = arith.divf %sub3A_315, %select_n3A_39 : vector<1024xf32>
    %slice3A_317 = vector.extract_strided_slice %div3A_316 {offsets = [0], sizes = [1023], strides = [1]} : vector<1024xf32> to vector<1023xf32>
    %concatenate3A_318 = tpu.concatenate %broadcast_in_dim3A_3, %slice3A_317 in 0 : vector<1xf32>, vector<1023xf32> -> vector<1024xf32>
    %mul3A_319 = arith.mulf %select_n3A_28, %concatenate3A_318 : vector<1024xf32>
    %sub3A_320 = arith.subf %select_n3A_45, %mul3A_319 : vector<1024xf32>
    %slice3A_321 = vector.extract_strided_slice %div3A_316 {offsets = [1], sizes = [1023], strides = [1]} : vector<1024xf32> to vector<1023xf32>
    %concatenate3A_322 = tpu.concatenate %slice3A_321, %broadcast_in_dim3A_3 in 0 : vector<1023xf32>, vector<1xf32> -> vector<1024xf32>
    %mul3A_323 = arith.mulf %select_n3A_34, %concatenate3A_322 : vector<1024xf32>
    %sub3A_324 = arith.subf %sub3A_320, %mul3A_323 : vector<1024xf32>
    %div3A_325 = arith.divf %sub3A_324, %select_n3A_39 : vector<1024xf32>
    %slice3A_326 = vector.extract_strided_slice %div3A_325 {offsets = [0], sizes = [1023], strides = [1]} : vector<1024xf32> to vector<1023xf32>
    %concatenate3A_327 = tpu.concatenate %broadcast_in_dim3A_3, %slice3A_326 in 0 : vector<1xf32>, vector<1023xf32> -> vector<1024xf32>
    %mul3A_328 = arith.mulf %select_n3A_28, %concatenate3A_327 : vector<1024xf32>
    %sub3A_329 = arith.subf %select_n3A_45, %mul3A_328 : vector<1024xf32>
    %slice3A_330 = vector.extract_strided_slice %div3A_325 {offsets = [1], sizes = [1023], strides = [1]} : vector<1024xf32> to vector<1023xf32>
    %concatenate3A_331 = tpu.concatenate %slice3A_330, %broadcast_in_dim3A_3 in 0 : vector<1023xf32>, vector<1xf32> -> vector<1024xf32>
    %mul3A_332 = arith.mulf %select_n3A_34, %concatenate3A_331 : vector<1024xf32>
    %sub3A_333 = arith.subf %sub3A_329, %mul3A_332 : vector<1024xf32>
    %div3A_334 = arith.divf %sub3A_333, %select_n3A_39 : vector<1024xf32>
    %slice3A_335 = vector.extract_strided_slice %div3A_334 {offsets = [0], sizes = [1023], strides = [1]} : vector<1024xf32> to vector<1023xf32>
    %concatenate3A_336 = tpu.concatenate %broadcast_in_dim3A_3, %slice3A_335 in 0 : vector<1xf32>, vector<1023xf32> -> vector<1024xf32>
    %mul3A_337 = arith.mulf %select_n3A_28, %concatenate3A_336 : vector<1024xf32>
    %sub3A_338 = arith.subf %select_n3A_45, %mul3A_337 : vector<1024xf32>
    %slice3A_339 = vector.extract_strided_slice %div3A_334 {offsets = [1], sizes = [1023], strides = [1]} : vector<1024xf32> to vector<1023xf32>
    %concatenate3A_340 = tpu.concatenate %slice3A_339, %broadcast_in_dim3A_3 in 0 : vector<1023xf32>, vector<1xf32> -> vector<1024xf32>
    %mul3A_341 = arith.mulf %select_n3A_34, %concatenate3A_340 : vector<1024xf32>
    %sub3A_342 = arith.subf %sub3A_338, %mul3A_341 : vector<1024xf32>
    %div3A_343 = arith.divf %sub3A_342, %select_n3A_39 : vector<1024xf32>
    %slice3A_344 = vector.extract_strided_slice %div3A_343 {offsets = [0], sizes = [1023], strides = [1]} : vector<1024xf32> to vector<1023xf32>
    %concatenate3A_345 = tpu.concatenate %broadcast_in_dim3A_3, %slice3A_344 in 0 : vector<1xf32>, vector<1023xf32> -> vector<1024xf32>
    %mul3A_346 = arith.mulf %select_n3A_28, %concatenate3A_345 : vector<1024xf32>
    %sub3A_347 = arith.subf %select_n3A_45, %mul3A_346 : vector<1024xf32>
    %slice3A_348 = vector.extract_strided_slice %div3A_343 {offsets = [1], sizes = [1023], strides = [1]} : vector<1024xf32> to vector<1023xf32>
    %concatenate3A_349 = tpu.concatenate %slice3A_348, %broadcast_in_dim3A_3 in 0 : vector<1023xf32>, vector<1xf32> -> vector<1024xf32>
    %mul3A_350 = arith.mulf %select_n3A_34, %concatenate3A_349 : vector<1024xf32>
    %sub3A_351 = arith.subf %sub3A_347, %mul3A_350 : vector<1024xf32>
    %div3A_352 = arith.divf %sub3A_351, %select_n3A_39 : vector<1024xf32>
    %slice3A_353 = vector.extract_strided_slice %div3A_352 {offsets = [0], sizes = [1023], strides = [1]} : vector<1024xf32> to vector<1023xf32>
    %concatenate3A_354 = tpu.concatenate %broadcast_in_dim3A_3, %slice3A_353 in 0 : vector<1xf32>, vector<1023xf32> -> vector<1024xf32>
    %mul3A_355 = arith.mulf %select_n3A_28, %concatenate3A_354 : vector<1024xf32>
    %sub3A_356 = arith.subf %select_n3A_45, %mul3A_355 : vector<1024xf32>
    %slice3A_357 = vector.extract_strided_slice %div3A_352 {offsets = [1], sizes = [1023], strides = [1]} : vector<1024xf32> to vector<1023xf32>
    %concatenate3A_358 = tpu.concatenate %slice3A_357, %broadcast_in_dim3A_3 in 0 : vector<1023xf32>, vector<1xf32> -> vector<1024xf32>
    %mul3A_359 = arith.mulf %select_n3A_34, %concatenate3A_358 : vector<1024xf32>
    %sub3A_360 = arith.subf %sub3A_356, %mul3A_359 : vector<1024xf32>
    %div3A_361 = arith.divf %sub3A_360, %select_n3A_39 : vector<1024xf32>
    %slice3A_362 = vector.extract_strided_slice %div3A_361 {offsets = [0], sizes = [1023], strides = [1]} : vector<1024xf32> to vector<1023xf32>
    %concatenate3A_363 = tpu.concatenate %broadcast_in_dim3A_3, %slice3A_362 in 0 : vector<1xf32>, vector<1023xf32> -> vector<1024xf32>
    %mul3A_364 = arith.mulf %select_n3A_28, %concatenate3A_363 : vector<1024xf32>
    %sub3A_365 = arith.subf %select_n3A_45, %mul3A_364 : vector<1024xf32>
    %slice3A_366 = vector.extract_strided_slice %div3A_361 {offsets = [1], sizes = [1023], strides = [1]} : vector<1024xf32> to vector<1023xf32>
    %concatenate3A_367 = tpu.concatenate %slice3A_366, %broadcast_in_dim3A_3 in 0 : vector<1023xf32>, vector<1xf32> -> vector<1024xf32>
    %mul3A_368 = arith.mulf %select_n3A_34, %concatenate3A_367 : vector<1024xf32>
    %sub3A_369 = arith.subf %sub3A_365, %mul3A_368 : vector<1024xf32>
    %div3A_370 = arith.divf %sub3A_369, %select_n3A_39 : vector<1024xf32>
    %slice3A_371 = vector.extract_strided_slice %div3A_370 {offsets = [0], sizes = [1023], strides = [1]} : vector<1024xf32> to vector<1023xf32>
    %concatenate3A_372 = tpu.concatenate %broadcast_in_dim3A_3, %slice3A_371 in 0 : vector<1xf32>, vector<1023xf32> -> vector<1024xf32>
    %mul3A_373 = arith.mulf %select_n3A_28, %concatenate3A_372 : vector<1024xf32>
    %sub3A_374 = arith.subf %select_n3A_45, %mul3A_373 : vector<1024xf32>
    %slice3A_375 = vector.extract_strided_slice %div3A_370 {offsets = [1], sizes = [1023], strides = [1]} : vector<1024xf32> to vector<1023xf32>
    %concatenate3A_376 = tpu.concatenate %slice3A_375, %broadcast_in_dim3A_3 in 0 : vector<1023xf32>, vector<1xf32> -> vector<1024xf32>
    %mul3A_377 = arith.mulf %select_n3A_34, %concatenate3A_376 : vector<1024xf32>
    %sub3A_378 = arith.subf %sub3A_374, %mul3A_377 : vector<1024xf32>
    %div3A_379 = arith.divf %sub3A_378, %select_n3A_39 : vector<1024xf32>
    %slice3A_380 = vector.extract_strided_slice %div3A_379 {offsets = [0], sizes = [1023], strides = [1]} : vector<1024xf32> to vector<1023xf32>
    %concatenate3A_381 = tpu.concatenate %broadcast_in_dim3A_3, %slice3A_380 in 0 : vector<1xf32>, vector<1023xf32> -> vector<1024xf32>
    %mul3A_382 = arith.mulf %select_n3A_28, %concatenate3A_381 : vector<1024xf32>
    %sub3A_383 = arith.subf %select_n3A_45, %mul3A_382 : vector<1024xf32>
    %slice3A_384 = vector.extract_strided_slice %div3A_379 {offsets = [1], sizes = [1023], strides = [1]} : vector<1024xf32> to vector<1023xf32>
    %concatenate3A_385 = tpu.concatenate %slice3A_384, %broadcast_in_dim3A_3 in 0 : vector<1023xf32>, vector<1xf32> -> vector<1024xf32>
    %mul3A_386 = arith.mulf %select_n3A_34, %concatenate3A_385 : vector<1024xf32>
    %sub3A_387 = arith.subf %sub3A_383, %mul3A_386 : vector<1024xf32>
    %div3A_388 = arith.divf %sub3A_387, %select_n3A_39 : vector<1024xf32>
    %slice3A_389 = vector.extract_strided_slice %div3A_388 {offsets = [0], sizes = [1023], strides = [1]} : vector<1024xf32> to vector<1023xf32>
    %concatenate3A_390 = tpu.concatenate %broadcast_in_dim3A_3, %slice3A_389 in 0 : vector<1xf32>, vector<1023xf32> -> vector<1024xf32>
    %mul3A_391 = arith.mulf %select_n3A_28, %concatenate3A_390 : vector<1024xf32>
    %sub3A_392 = arith.subf %select_n3A_45, %mul3A_391 : vector<1024xf32>
    %slice3A_393 = vector.extract_strided_slice %div3A_388 {offsets = [1], sizes = [1023], strides = [1]} : vector<1024xf32> to vector<1023xf32>
    %concatenate3A_394 = tpu.concatenate %slice3A_393, %broadcast_in_dim3A_3 in 0 : vector<1023xf32>, vector<1xf32> -> vector<1024xf32>
    %mul3A_395 = arith.mulf %select_n3A_34, %concatenate3A_394 : vector<1024xf32>
    %sub3A_396 = arith.subf %sub3A_392, %mul3A_395 : vector<1024xf32>
    %div3A_397 = arith.divf %sub3A_396, %select_n3A_39 : vector<1024xf32>
    %slice3A_398 = vector.extract_strided_slice %div3A_397 {offsets = [0], sizes = [1023], strides = [1]} : vector<1024xf32> to vector<1023xf32>
    %concatenate3A_399 = tpu.concatenate %broadcast_in_dim3A_3, %slice3A_398 in 0 : vector<1xf32>, vector<1023xf32> -> vector<1024xf32>
    %mul3A_400 = arith.mulf %select_n3A_28, %concatenate3A_399 : vector<1024xf32>
    %sub3A_401 = arith.subf %select_n3A_45, %mul3A_400 : vector<1024xf32>
    %slice3A_402 = vector.extract_strided_slice %div3A_397 {offsets = [1], sizes = [1023], strides = [1]} : vector<1024xf32> to vector<1023xf32>
    %concatenate3A_403 = tpu.concatenate %slice3A_402, %broadcast_in_dim3A_3 in 0 : vector<1023xf32>, vector<1xf32> -> vector<1024xf32>
    %mul3A_404 = arith.mulf %select_n3A_34, %concatenate3A_403 : vector<1024xf32>
    %sub3A_405 = arith.subf %sub3A_401, %mul3A_404 : vector<1024xf32>
    %div3A_406 = arith.divf %sub3A_405, %select_n3A_39 : vector<1024xf32>
    %slice3A_407 = vector.extract_strided_slice %div3A_406 {offsets = [1], sizes = [1023], strides = [1]} : vector<1024xf32> to vector<1023xf32>
    %concatenate3A_408 = tpu.concatenate %slice3A_407, %broadcast_in_dim3A_3 in 0 : vector<1023xf32>, vector<1xf32> -> vector<1024xf32>
    %gt3A_409 = arith.constant 0.000000e+00 : f32
    %gt3A_410 = vector.broadcast %gt3A_409 : f32 to vector<1024xf32>
    %gt3A_411 = arith.cmpf ogt, %sub3A, %gt3A_410 : vector<1024xf32>
    %jit3A_412 = arith.constant 1.000000e+00 : f32
    %broadcast_in_dim3A_413 = vector.broadcast %jit3A_412 : f32 to vector<1024xf32>
    %select_n3A_414 = arith.select %gt3A_411, %sub3A, %broadcast_in_dim3A_413 : vector<1024xi1>, vector<1024xf32>
    %swap3A = arith.constant 0 : index
    %swap3A_415 = vector.load %arg2[%swap3A] : memref<1024xf32, #tpu.memory_space<vmem>>, vector<1024xf32>
    tpu.vector_store %arg2[%swap3A], %get3A_2 {strides = array<i32>} : memref<1024xf32, #tpu.memory_space<vmem>>, vector<1024xf32>,
    %mul3A_416 = arith.constant 2.000000e+00 : f32
    %mul3A_417 = vector.broadcast %mul3A_416 : f32 to vector<1024xf32>
    %mul3A_418 = arith.mulf %mul3A_417, %div3A_406 : vector<1024xf32>
    %add3A_419 = arith.addf %mul3A_418, %concatenate3A_408 : vector<1024xf32>
    %mul3A_420 = arith.mulf %sub3A, %add3A_419 : vector<1024xf32>
    %div3A_421 = arith.constant 6.000000e+00 : f32
    %div3A_422 = vector.broadcast %div3A_421 : f32 to vector<1024xf32>
    %div3A_423 = arith.divf %mul3A_420, %div3A_422 : vector<1024xf32>
    %sub3A_424 = arith.subf %select_n3A_15, %div3A_423 : vector<1024xf32>
    %swap3A_425 = arith.constant 0 : index
    %swap3A_426 = vector.load %arg3[%swap3A_425] : memref<1024xf32, #tpu.memory_space<vmem>>, vector<1024xf32>
    tpu.vector_store %arg3[%swap3A_425], %sub3A_424 {strides = array<i32>} : memref<1024xf32, #tpu.memory_space<vmem>>, vector<1024xf32>,
    %div3A_427 = arith.constant 2.000000e+00 : f32
    %div3A_428 = vector.broadcast %div3A_427 : f32 to vector<1024xf32>
    %div3A_429 = arith.divf %div3A_406, %div3A_428 : vector<1024xf32>
    %swap3A_430 = arith.constant 0 : index
    %swap3A_431 = vector.load %arg4[%swap3A_430] : memref<1024xf32, #tpu.memory_space<vmem>>, vector<1024xf32>
    tpu.vector_store %arg4[%swap3A_430], %div3A_429 {strides = array<i32>} : memref<1024xf32, #tpu.memory_space<vmem>>, vector<1024xf32>,
    %sub3A_432 = arith.subf %concatenate3A_408, %div3A_406 : vector<1024xf32>
    %mul3A_433 = arith.constant 6.000000e+00 : f32
    %mul3A_434 = vector.broadcast %mul3A_433 : f32 to vector<1024xf32>
    %mul3A_435 = arith.mulf %mul3A_434, %select_n3A_414 : vector<1024xf32>
    %div3A_436 = arith.divf %sub3A_432, %mul3A_435 : vector<1024xf32>
    %swap3A_437 = arith.constant 0 : index
    %swap3A_438 = vector.load %arg5[%swap3A_437] : memref<1024xf32, #tpu.memory_space<vmem>>, vector<1024xf32>
    tpu.vector_store %arg5[%swap3A_437], %div3A_436 {strides = array<i32>} : memref<1024xf32, #tpu.memory_space<vmem>>, vector<1024xf32>,
    return
  }
}

module attributes {stable_mosaic.version = 14 : i64} {
  func.func @_prep2_tc_body(%arg0: i32, %arg1: memref<1024x1xf32, #tpu.memory_space<vmem>>, %arg2: memref<1024x1xf32, #tpu.memory_space<vmem>>, %arg3: memref<1024x1xf32, #tpu.memory_space<vmem>>, %arg4: memref<1024x1xf32, #tpu.memory_space<vmem>>, %arg5: memref<1024x1xf32, #tpu.memory_space<vmem>>, %arg6: memref<1x1x512xf32, #tpu.memory_space<vmem>>, %arg7: memref<1x1x512xf32, #tpu.memory_space<vmem>>, %arg8: memref<1x1x512xf32, #tpu.memory_space<vmem>>, %arg9: memref<1x1x512xf32, #tpu.memory_space<vmem>>) attributes {dimension_semantics = [#tpu.dimension_semantics<arbitrary>], iteration_bounds = array<i64: 32>, scalar_prefetch = 0 : i64, scratch_operands = 0 : i64, tpu.core_type = #tpu.core_type<tc>, window_params = [{pipeline_mode = #tpu.pipeline_mode<synchronous>, transform_indices = @transform_0, window_bounds = array<i64: 1024, 1>}, {pipeline_mode = #tpu.pipeline_mode<synchronous>, transform_indices = @transform_1, window_bounds = array<i64: 1024, 1>}, {pipeline_mode = #tpu.pipeline_mode<synchronous>, transform_indices = @transform_2, window_bounds = array<i64: 1024, 1>}, {pipeline_mode = #tpu.pipeline_mode<synchronous>, transform_indices = @transform_3, window_bounds = array<i64: 1024, 1>}, {pipeline_mode = #tpu.pipeline_mode<synchronous>, transform_indices = @transform_4, window_bounds = array<i64: 1024, 1>}, {transform_indices = @transform_5, window_bounds = array<i64: 1, 1, 512>}, {transform_indices = @transform_6, window_bounds = array<i64: 1, 1, 512>}, {transform_indices = @transform_7, window_bounds = array<i64: 1, 1, 512>}, {transform_indices = @transform_8, window_bounds = array<i64: 1, 1, 512>}]} {
    %get3A = arith.constant 0 : index
    %get3A_0 = arith.constant 0 : index
    %get3A_1 = vector.load %arg1[%get3A, %get3A_0] : memref<1024x1xf32, #tpu.memory_space<vmem>>, vector<1024x1xf32>
    %get3A_2 = arith.constant 0 : index
    %get3A_3 = arith.constant 0 : index
    %get3A_4 = vector.load %arg1[%get3A_2, %get3A_3] : memref<1024x1xf32, #tpu.memory_space<vmem>>, vector<1x1xf32>
    %get3A_5 = vector.extract %get3A_4[0, 0] : f32 from vector<1x1xf32>
    %get3A_6 = arith.constant 1023 : index
    %get3A_7 = arith.constant 0 : index
    %get3A_8 = vector.load %arg1[%get3A_6, %get3A_7] : memref<1024x1xf32, #tpu.memory_space<vmem>>, vector<1x1xf32>
    %get3A_9 = vector.extract %get3A_8[0, 0] : f32 from vector<1x1xf32>
    %sub3A = arith.subf %get3A_9, %get3A_5 : f32
    %div3A = arith.constant 1.638400e+04 : f32
    %div3A_10 = arith.divf %sub3A, %div3A : f32
    %iota3A = tpu.iota {dimensions = array<i32: 1>} : vector<1x512xi32>
    %mul3A = arith.constant 512 : i32
    %mul3A_11 = arith.muli %arg0, %mul3A : i32
    %add3A = vector.broadcast %mul3A_11 : i32 to vector<1x512xi32>
    %add3A_12 = arith.addi %iota3A, %add3A : vector<1x512xi32>
    %convert_element_type3A = arith.sitofp %add3A_12 : vector<1x512xi32> to vector<1x512xf32>
    %mul3A_13 = vector.broadcast %div3A_10 : f32 to vector<1x512xf32>
    %mul3A_14 = arith.mulf %convert_element_type3A, %mul3A_13 : vector<1x512xf32>
    %add3A_15 = vector.broadcast %get3A_5 : f32 to vector<1x512xf32>
    %add3A_16 = arith.addf %add3A_15, %mul3A_14 : vector<1x512xf32>
    %mul3A_17 = arith.constant 5.000000e-01 : f32
    %mul3A_18 = arith.mulf %mul3A_17, %div3A_10 : f32
    %add3A_19 = vector.broadcast %mul3A_18 : f32 to vector<1x512xf32>
    %add3A_20 = arith.addf %add3A_16, %add3A_19 : vector<1x512xf32>
    %le3A = vector.broadcast %get3A_1 : vector<1024x1xf32> to vector<1024x512xf32>
    %le3A_21 = vector.broadcast %add3A_20 : vector<1x512xf32> to vector<1024x512xf32>
    %le3A_22 = arith.cmpf ole, %le3A, %le3A_21 : vector<1024x512xf32>
    %convert_element_type3A_23 = arith.extui %le3A_22 : vector<1024x512xi1> to vector<1024x512xi32>
    %convert_element_type3A_24 = arith.sitofp %convert_element_type3A_23 : vector<1024x512xi32> to vector<1024x512xf32>
    %broadcast_in_dim3A = arith.constant 0.000000e+00 : f32
    %broadcast_in_dim3A_25 = vector.broadcast %broadcast_in_dim3A : f32 to vector<1x1xf32>
    %get3A_26 = arith.constant 0 : index
    %get3A_27 = arith.constant 0 : index
    %get3A_28 = vector.load %arg1[%get3A_26, %get3A_27] : memref<1024x1xf32, #tpu.memory_space<vmem>>, vector<1024x1xf32>
    %slice3A = vector.extract_strided_slice %get3A_28 {offsets = [0, 0], sizes = [1023, 1], strides = [1, 1]} : vector<1024x1xf32> to vector<1023x1xf32>
    %concatenate3A = tpu.concatenate %broadcast_in_dim3A_25, %slice3A in 0 : vector<1x1xf32>, vector<1023x1xf32> -> vector<1024x1xf32>
    %sub3A_29 = arith.subf %get3A_28, %concatenate3A : vector<1024x1xf32>
    %mul3A_30 = vector.broadcast %sub3A_29 : vector<1024x1xf32> to vector<1024x512xf32>
    %mul3A_31 = arith.mulf %mul3A_30, %convert_element_type3A_24 : vector<1024x512xf32>
    %reduce_sum3A = arith.constant dense<0.000000e+00> : vector<512xf32>
    %reduce_sum3A_32 = vector.multi_reduction <add>, %mul3A_31, %reduce_sum3A [0] : vector<1024x512xf32> to vector<512xf32>
    %broadcast_in_dim3A_33 = vector.shape_cast %reduce_sum3A_32 : vector<512xf32> to vector<1x512xf32>
    %sub3A_34 = arith.subf %add3A_16, %broadcast_in_dim3A_33 : vector<1x512xf32>
    %get3A_35 = arith.constant 0 : index
    %get3A_36 = arith.constant 0 : index
    %get3A_37 = vector.load %arg2[%get3A_35, %get3A_36] : memref<1024x1xf32, #tpu.memory_space<vmem>>, vector<1024x1xf32>
    %slice3A_38 = vector.extract_strided_slice %get3A_37 {offsets = [0, 0], sizes = [1023, 1], strides = [1, 1]} : vector<1024x1xf32> to vector<1023x1xf32>
    %concatenate3A_39 = tpu.concatenate %broadcast_in_dim3A_25, %slice3A_38 in 0 : vector<1x1xf32>, vector<1023x1xf32> -> vector<1024x1xf32>
    %sub3A_40 = arith.subf %get3A_37, %concatenate3A_39 : vector<1024x1xf32>
    %mul3A_41 = vector.broadcast %sub3A_40 : vector<1024x1xf32> to vector<1024x512xf32>
    %mul3A_42 = arith.mulf %mul3A_41, %convert_element_type3A_24 : vector<1024x512xf32>
    %reduce_sum3A_43 = arith.constant dense<0.000000e+00> : vector<512xf32>
    %reduce_sum3A_44 = vector.multi_reduction <add>, %mul3A_42, %reduce_sum3A_43 [0] : vector<1024x512xf32> to vector<512xf32>
    %broadcast_in_dim3A_45 = vector.shape_cast %reduce_sum3A_44 : vector<512xf32> to vector<1x512xf32>
    %get3A_46 = arith.constant 0 : index
    %get3A_47 = arith.constant 0 : index
    %get3A_48 = vector.load %arg3[%get3A_46, %get3A_47] : memref<1024x1xf32, #tpu.memory_space<vmem>>, vector<1024x1xf32>
    %slice3A_49 = vector.extract_strided_slice %get3A_48 {offsets = [0, 0], sizes = [1023, 1], strides = [1, 1]} : vector<1024x1xf32> to vector<1023x1xf32>
    %concatenate3A_50 = tpu.concatenate %broadcast_in_dim3A_25, %slice3A_49 in 0 : vector<1x1xf32>, vector<1023x1xf32> -> vector<1024x1xf32>
    %sub3A_51 = arith.subf %get3A_48, %concatenate3A_50 : vector<1024x1xf32>
    %mul3A_52 = vector.broadcast %sub3A_51 : vector<1024x1xf32> to vector<1024x512xf32>
    %mul3A_53 = arith.mulf %mul3A_52, %convert_element_type3A_24 : vector<1024x512xf32>
    %reduce_sum3A_54 = arith.constant dense<0.000000e+00> : vector<512xf32>
    %reduce_sum3A_55 = vector.multi_reduction <add>, %mul3A_53, %reduce_sum3A_54 [0] : vector<1024x512xf32> to vector<512xf32>
    %broadcast_in_dim3A_56 = vector.shape_cast %reduce_sum3A_55 : vector<512xf32> to vector<1x512xf32>
    %get3A_57 = arith.constant 0 : index
    %get3A_58 = arith.constant 0 : index
    %get3A_59 = vector.load %arg4[%get3A_57, %get3A_58] : memref<1024x1xf32, #tpu.memory_space<vmem>>, vector<1024x1xf32>
    %slice3A_60 = vector.extract_strided_slice %get3A_59 {offsets = [0, 0], sizes = [1023, 1], strides = [1, 1]} : vector<1024x1xf32> to vector<1023x1xf32>
    %concatenate3A_61 = tpu.concatenate %broadcast_in_dim3A_25, %slice3A_60 in 0 : vector<1x1xf32>, vector<1023x1xf32> -> vector<1024x1xf32>
    %sub3A_62 = arith.subf %get3A_59, %concatenate3A_61 : vector<1024x1xf32>
    %mul3A_63 = vector.broadcast %sub3A_62 : vector<1024x1xf32> to vector<1024x512xf32>
    %mul3A_64 = arith.mulf %mul3A_63, %convert_element_type3A_24 : vector<1024x512xf32>
    %reduce_sum3A_65 = arith.constant dense<0.000000e+00> : vector<512xf32>
    %reduce_sum3A_66 = vector.multi_reduction <add>, %mul3A_64, %reduce_sum3A_65 [0] : vector<1024x512xf32> to vector<512xf32>
    %broadcast_in_dim3A_67 = vector.shape_cast %reduce_sum3A_66 : vector<512xf32> to vector<1x512xf32>
    %get3A_68 = arith.constant 0 : index
    %get3A_69 = arith.constant 0 : index
    %get3A_70 = vector.load %arg5[%get3A_68, %get3A_69] : memref<1024x1xf32, #tpu.memory_space<vmem>>, vector<1024x1xf32>
    %slice3A_71 = vector.extract_strided_slice %get3A_70 {offsets = [0, 0], sizes = [1023, 1], strides = [1, 1]} : vector<1024x1xf32> to vector<1023x1xf32>
    %concatenate3A_72 = tpu.concatenate %broadcast_in_dim3A_25, %slice3A_71 in 0 : vector<1x1xf32>, vector<1023x1xf32> -> vector<1024x1xf32>
    %sub3A_73 = arith.subf %get3A_70, %concatenate3A_72 : vector<1024x1xf32>
    %mul3A_74 = vector.broadcast %sub3A_73 : vector<1024x1xf32> to vector<1024x512xf32>
    %mul3A_75 = arith.mulf %mul3A_74, %convert_element_type3A_24 : vector<1024x512xf32>
    %reduce_sum3A_76 = arith.constant dense<0.000000e+00> : vector<512xf32>
    %reduce_sum3A_77 = vector.multi_reduction <add>, %mul3A_75, %reduce_sum3A_76 [0] : vector<1024x512xf32> to vector<512xf32>
    %broadcast_in_dim3A_78 = vector.shape_cast %reduce_sum3A_77 : vector<512xf32> to vector<1x512xf32>
    %mul3A_79 = arith.mulf %sub3A_34, %broadcast_in_dim3A_78 : vector<1x512xf32>
    %add3A_80 = arith.addf %broadcast_in_dim3A_67, %mul3A_79 : vector<1x512xf32>
    %mul3A_81 = arith.mulf %sub3A_34, %add3A_80 : vector<1x512xf32>
    %add3A_82 = arith.addf %broadcast_in_dim3A_56, %mul3A_81 : vector<1x512xf32>
    %mul3A_83 = arith.mulf %sub3A_34, %add3A_82 : vector<1x512xf32>
    %add3A_84 = arith.addf %broadcast_in_dim3A_45, %mul3A_83 : vector<1x512xf32>
    %mul3A_85 = arith.constant 2.000000e+00 : f32
    %mul3A_86 = vector.broadcast %mul3A_85 : f32 to vector<1x512xf32>
    %mul3A_87 = arith.mulf %mul3A_86, %broadcast_in_dim3A_67 : vector<1x512xf32>
    %mul3A_88 = arith.constant 3.000000e+00 : f32
    %mul3A_89 = vector.broadcast %mul3A_88 : f32 to vector<1x512xf32>
    %mul3A_90 = arith.mulf %mul3A_89, %broadcast_in_dim3A_78 : vector<1x512xf32>
    %mul3A_91 = arith.mulf %mul3A_90, %sub3A_34 : vector<1x512xf32>
    %add3A_92 = arith.addf %mul3A_87, %mul3A_91 : vector<1x512xf32>
    %mul3A_93 = arith.mulf %sub3A_34, %add3A_92 : vector<1x512xf32>
    %add3A_94 = arith.addf %broadcast_in_dim3A_56, %mul3A_93 : vector<1x512xf32>
    %mul3A_95 = vector.broadcast %div3A_10 : f32 to vector<1x512xf32>
    %mul3A_96 = arith.mulf %add3A_94, %mul3A_95 : vector<1x512xf32>
    %mul3A_97 = arith.constant 3.000000e+00 : f32
    %mul3A_98 = vector.broadcast %mul3A_97 : f32 to vector<1x512xf32>
    %mul3A_99 = arith.mulf %mul3A_98, %broadcast_in_dim3A_78 : vector<1x512xf32>
    %mul3A_100 = arith.mulf %mul3A_99, %sub3A_34 : vector<1x512xf32>
    %add3A_101 = arith.addf %broadcast_in_dim3A_67, %mul3A_100 : vector<1x512xf32>
    %mul3A_102 = arith.mulf %div3A_10, %div3A_10 : f32
    %mul3A_103 = vector.broadcast %mul3A_102 : f32 to vector<1x512xf32>
    %mul3A_104 = arith.mulf %add3A_101, %mul3A_103 : vector<1x512xf32>
    %mul3A_105 = arith.mulf %div3A_10, %div3A_10 : f32
    %mul3A_106 = arith.mulf %mul3A_105, %div3A_10 : f32
    %mul3A_107 = vector.broadcast %mul3A_106 : f32 to vector<1x512xf32>
    %mul3A_108 = arith.mulf %broadcast_in_dim3A_78, %mul3A_107 : vector<1x512xf32>
    %reshape3A = vector.shape_cast %add3A_84 : vector<1x512xf32> to vector<1x1x512xf32>
    %swap3A = arith.constant 0 : index
    %swap3A_109 = arith.constant 0 : index
    %swap3A_110 = arith.constant 0 : index
    %swap3A_111 = vector.load %arg6[%swap3A, %swap3A_109, %swap3A_110] : memref<1x1x512xf32, #tpu.memory_space<vmem>>, vector<1x1x512xf32>
    tpu.vector_store %arg6[%swap3A, %swap3A_109, %swap3A_110], %reshape3A {strides = array<i32>} : memref<1x1x512xf32, #tpu.memory_space<vmem>>, vector<1x1x512xf32>,
    %reshape3A_112 = vector.shape_cast %mul3A_96 : vector<1x512xf32> to vector<1x1x512xf32>
    %swap3A_113 = arith.constant 0 : index
    %swap3A_114 = arith.constant 0 : index
    %swap3A_115 = arith.constant 0 : index
    %swap3A_116 = vector.load %arg7[%swap3A_113, %swap3A_114, %swap3A_115] : memref<1x1x512xf32, #tpu.memory_space<vmem>>, vector<1x1x512xf32>
    tpu.vector_store %arg7[%swap3A_113, %swap3A_114, %swap3A_115], %reshape3A_112 {strides = array<i32>} : memref<1x1x512xf32, #tpu.memory_space<vmem>>, vector<1x1x512xf32>,
    %reshape3A_117 = vector.shape_cast %mul3A_104 : vector<1x512xf32> to vector<1x1x512xf32>
    %swap3A_118 = arith.constant 0 : index
    %swap3A_119 = arith.constant 0 : index
    %swap3A_120 = arith.constant 0 : index
    %swap3A_121 = vector.load %arg8[%swap3A_118, %swap3A_119, %swap3A_120] : memref<1x1x512xf32, #tpu.memory_space<vmem>>, vector<1x1x512xf32>
    tpu.vector_store %arg8[%swap3A_118, %swap3A_119, %swap3A_120], %reshape3A_117 {strides = array<i32>} : memref<1x1x512xf32, #tpu.memory_space<vmem>>, vector<1x1x512xf32>,
    %reshape3A_122 = vector.shape_cast %mul3A_108 : vector<1x512xf32> to vector<1x1x512xf32>
    %swap3A_123 = arith.constant 0 : index
    %swap3A_124 = arith.constant 0 : index
    %swap3A_125 = arith.constant 0 : index
    %swap3A_126 = vector.load %arg9[%swap3A_123, %swap3A_124, %swap3A_125] : memref<1x1x512xf32, #tpu.memory_space<vmem>>, vector<1x1x512xf32>
    tpu.vector_store %arg9[%swap3A_123, %swap3A_124, %swap3A_125], %reshape3A_122 {strides = array<i32>} : memref<1x1x512xf32, #tpu.memory_space<vmem>>, vector<1x1x512xf32>,
    return
  }
  func.func @transform_0(%arg0: i32) -> (i32, i32) {
    %c0_i32 = arith.constant 0 : i32
    %c0_i32_0 = arith.constant 0 : i32
    %c0_i32_1 = arith.constant 0 : i32
    return %c0_i32, %c0_i32_0 : i32, i32
  }
  func.func @transform_1(%arg0: i32) -> (i32, i32) {
    %c0_i32 = arith.constant 0 : i32
    %c0_i32_0 = arith.constant 0 : i32
    %c0_i32_1 = arith.constant 0 : i32
    return %c0_i32, %c0_i32_0 : i32, i32
  }
  func.func @transform_2(%arg0: i32) -> (i32, i32) {
    %c0_i32 = arith.constant 0 : i32
    %c0_i32_0 = arith.constant 0 : i32
    %c0_i32_1 = arith.constant 0 : i32
    return %c0_i32, %c0_i32_0 : i32, i32
  }
  func.func @transform_3(%arg0: i32) -> (i32, i32) {
    %c0_i32 = arith.constant 0 : i32
    %c0_i32_0 = arith.constant 0 : i32
    %c0_i32_1 = arith.constant 0 : i32
    return %c0_i32, %c0_i32_0 : i32, i32
  }
  func.func @transform_4(%arg0: i32) -> (i32, i32) {
    %c0_i32 = arith.constant 0 : i32
    %c0_i32_0 = arith.constant 0 : i32
    %c0_i32_1 = arith.constant 0 : i32
    return %c0_i32, %c0_i32_0 : i32, i32
  }
  func.func @transform_5(%arg0: i32) -> (i32, i32, i32) {
    %c0_i32 = arith.constant 0 : i32
    %c0_i32_0 = arith.constant 0 : i32
    %c0_i32_1 = arith.constant 0 : i32
    return %arg0, %c0_i32, %c0_i32_0 : i32, i32, i32
  }
  func.func @transform_6(%arg0: i32) -> (i32, i32, i32) {
    %c0_i32 = arith.constant 0 : i32
    %c0_i32_0 = arith.constant 0 : i32
    %c0_i32_1 = arith.constant 0 : i32
    return %arg0, %c0_i32, %c0_i32_0 : i32, i32, i32
  }
  func.func @transform_7(%arg0: i32) -> (i32, i32, i32) {
    %c0_i32 = arith.constant 0 : i32
    %c0_i32_0 = arith.constant 0 : i32
    %c0_i32_1 = arith.constant 0 : i32
    return %arg0, %c0_i32, %c0_i32_0 : i32, i32, i32
  }
  func.func @transform_8(%arg0: i32) -> (i32, i32, i32) {
    %c0_i32 = arith.constant 0 : i32
    %c0_i32_0 = arith.constant 0 : i32
    %c0_i32_1 = arith.constant 0 : i32
    return %arg0, %c0_i32, %c0_i32_0 : i32, i32, i32
  }
}

</mosaic_0001>

<sc_bundles>
// kernel: kernel.5.cloned.1.call-start
scs
__scs_entry_jumppad:
0x0: {  	(pc) =	sbr.rel $0x88, $3  }
0x1: {  	(tag) =	ssettag $0x0;
	lr =	simm.s32 $0x1  }
0x2: {  	[smem:$0x3F9E] =	sst lr;
	_ =	strace $0xD0000000  }
0x3: {  	_ = 	snop  }
0x4: {  	_ = 	snop  }
0x5: {  	_ = 	snop  }
0x6: {  	_ = 	snop  }
0x7: {  	_ = 	snop  }
__scs_overlays_trampoline_lowered:
0x8: {  	[smem:$0x3FAD] =	sst s0  }
0x9: {  	[smem:$0x3FAE] =	sst s1  }
0xa: {  	[smem:$0x3FAF] =	sst s2  }
0xb: {  	[smem:$0x3FB0] =	sst s3  }
0xc: {  	[smem:$0x3FB1] =	sst s4  }
0xd: {  	[smem:$0x3FB2] =	sst s5  }
0xe: {  	[smem:$0x3FB3] =	sst s6  }
0xf: {  	[smem:$0x3FB4] =	sst s7  }
0x10: {  	[smem:$0x3FB5] =	sst s8  }
0x11: {  	[smem:$0x3FB6] =	sst s9;
	s0 =	simm.s32 @!p0 $0x0  }
0x12: {  	s1 =	sld [smem:$0x3F9C];
	s0 =	simm.s32 @p0 $0x1  }
0x13: {  	[smem:$0x3FB7] =	sst s0;
	s0 =	simm.s32 @!p1 $0x0  }
0x14: {  	s2 =	sld [smem:$0x3F9B];
	s0 =	simm.s32 @p1 $0x1  }
0x15: {  	[smem:$0x3FB8] =	sst s0;
	s0 =	simm.s32 @!p2 $0x0  }
0x16: {  	s3 =	sld [smem:$0x3FDB];
	s0 =	simm.s32 @p2 $0x1  }
0x17: {  	s4 =	simm.s32 $0x1BF5;
	[smem:$0x3FBA] =	sst s0  }
0x18: {  	s0 =	sld [smem:$0x3F9D];
	_ =	swait.ge [sflag:s4], $0x0  }
0x19: {  	s7 =	sld [smem:$0x3F9E]  }
0x1a: {  	s8 =	sadd.s32 $0xFFFFE003, lr  }
0x1b: {  	s9 =	sadd.s32 $0xFFFFFEF7, lr;
	s5 =	simm.s32 $0xFFFFFFFF;
	p2 =	slt.u32 s8, $0xFFFFF086  }
0x1c: {  	p1 =	slt.u32 s9, $0xF7A;
	s5 =	simm.s32 @!p2 $0x0  }
0x1d: {  	s5 =	simm.s32 @p1 $0x1;
	p0 =	seq.s32 s7, s2  }
0x1e: {  	s7 =	smul.u32 @!p0 $0xF7A, s2;
	p2 =	seq.s32 @!p0 s5, $0x0  }
0x1f: {  	s9 =	smul.u32 $0xF7A, s1;
	s8 =	simm.s32 @!p0 $0x1BF5;
	p2 =	por !p2, p0  }
0x20: {  	[sflag:s8] =	ssyncset.s32 @!p0 $0xFFFFF086;
	s6 =	sadd.s32 @!p0 s3, s7;
	s7 =	simm.s32 @!p0 $0x108  }
0x21: {  	s3 =	sadd.s32 s3, s9;
	s6 =	sadd.s32 @!p0 $0x88, s6;
	s7 =	simm.s32 @p2 $0x1082  }
0x22: {  	[simem:s7], [sflag:s8] =	dma.local @!p0 [hbm:s6], $0xF7A  }
0x23: {  	s9 =	sor.u32 $0xD0000000, s2;
	s6 =	simm.s32 $0x108;
	_ =	swait.ge @!p0 [sflag:s8], $0x0  }
0x24: {  	s3 =	sadd.s32 $0x88, s3;
	s6 =	simm.s32 @!p1 $0x1082;
	[sflag:s4] =	ssyncset.s32 $0xFFFFF086  }
0x25: {  	[simem:s6], [sflag:s4] =	dma.local [hbm:s3], $0xF7A  }
0x26: {  	[smem:$0x3F9E] =	sst s1;
	(tag) =	ssettag s2;
	_ =	strace s9  }
0x27: {  	s1 =	sld [smem:$0x3FAE]  }
0x28: {  	s2 =	sld [smem:$0x3FAF]  }
0x29: {  	s4 =	sld [smem:$0x3FB1]  }
0x2a: {  	p0 =	seq.s32 s5, $0x0;
	s5 =	sld [smem:$0x3FB2]  }
0x2b: {  	s6 =	sld [smem:$0x3FB3]  }
0x2c: {  	s7 =	sld [smem:$0x3FB4]  }
0x2d: {  	s3 =	simm.s32 $0x108;
	s8 =	sld [smem:$0x3FB5]  }
0x2e: {  	s3 =	simm.s32 @!p0 $0x1082;
	s9 =	sld [smem:$0x3FB6]  }
0x2f: {  	lr =	sadd.s32 s0, s3;
	s0 =	sld [smem:$0x3FAD]  }
0x30: {  	s3 =	sld [smem:$0x3FB0]  }
0x31: {  	[smem:$0x3FB9] =	sst s10  }
0x32: {  	s10 =	sld [smem:$0x3FB7];
	_ =	sdelay $0x3  }
0x33: {  	p0 =	seq.s32 s10, $0x1;
	s10 =	sld [smem:$0x3FB9];
	_ =	sdelay $0x3  }
0x34: {  	[smem:$0x3FB9] =	sst s10  }
0x35: {  	s10 =	sld [smem:$0x3FB8];
	_ =	sdelay $0x3  }
0x36: {  	p1 =	seq.s32 s10, $0x1;
	s10 =	sld [smem:$0x3FB9];
	_ =	sdelay $0x3  }
0x37: {  	[smem:$0x3FB9] =	sst s10  }
0x38: {  	s10 =	sld [smem:$0x3FBA]  }
0x39: {  	_ = 	snop;
	(pc) =	sbr.ind lr, $3  }
0x3a: {  	_ = 	snop  }
0x3b: {  	_ = 	snop  }
0x3c: {  	p2 =	seq.s32 s10, $0x1;
	s10 =	sld [smem:$0x3FB9]  }
0x3d: {  	_ =	shalt  }
0x3e: {  	_ =	shalt  }
0x3f: {  	_ =	shalt  }
0x40: {  	_ =	shalt  }
0x41: {  	_ =	shalt  }
0x42: {  	_ =	shalt  }
0x43: {  	_ =	shalt  }
0x44: {  	_ =	shalt  }
0x45: {  	_ =	shalt  }
0x46: {  	_ =	shalt  }
0x47: {  	_ =	shalt  }
0x48: {  	_ =	shalt  }
0x49: {  	_ =	shalt  }
0x4a: {  	_ =	shalt  }
0x4b: {  	_ =	shalt  }
0x4c: {  	_ =	shalt  }
0x4d: {  	_ =	shalt  }
0x4e: {  	_ =	shalt  }
0x4f: {  	_ =	shalt  }
0x50: {  	_ =	shalt  }
0x51: {  	_ =	shalt  }
0x52: {  	_ =	shalt  }
0x53: {  	_ =	shalt  }
0x54: {  	_ =	shalt  }
0x55: {  	_ =	shalt  }
0x56: {  	_ =	shalt  }
0x57: {  	_ =	shalt  }
0x58: {  	_ =	shalt  }
0x59: {  	_ =	shalt  }
0x5a: {  	_ =	shalt  }
0x5b: {  	_ =	shalt  }
0x5c: {  	_ =	shalt  }
0x5d: {  	_ =	shalt  }
0x5e: {  	_ =	shalt  }
0x5f: {  	_ =	shalt  }
0x60: {  	_ =	shalt  }
0x61: {  	_ =	shalt  }
0x62: {  	_ =	shalt  }
0x63: {  	_ =	shalt  }
0x64: {  	_ =	shalt  }
0x65: {  	_ =	shalt  }
0x66: {  	_ =	shalt  }
0x67: {  	_ =	shalt  }
0x68: {  	_ =	shalt  }
0x69: {  	_ =	shalt  }
0x6a: {  	_ =	shalt  }
0x6b: {  	_ =	shalt  }
0x6c: {  	_ =	shalt  }
0x6d: {  	_ =	shalt  }
0x6e: {  	_ =	shalt  }
0x6f: {  	_ =	shalt  }
0x70: {  	_ =	shalt  }
0x71: {  	_ =	shalt  }
0x72: {  	_ =	shalt  }
0x73: {  	_ =	shalt  }
0x74: {  	_ =	shalt  }
0x75: {  	_ =	shalt  }
0x76: {  	_ =	shalt  }
0x77: {  	_ =	shalt  }
0x78: {  	_ =	shalt  }
0x79: {  	_ =	shalt  }
0x7a: {  	_ =	shalt  }
0x7b: {  	_ =	shalt  }
0x7c: {  	_ =	shalt  }
0x7d: {  	_ =	shalt  }
0x7e: {  	_ =	shalt  }
0x7f: {  	_ =	shalt  }
0x80: {  	_ =	shalt  }
0x81: {  	_ =	shalt  }
0x82: {  	_ =	shalt  }
0x83: {  	_ =	shalt  }
0x84: {  	_ =	shalt  }
0x85: {  	_ =	shalt  }
0x86: {  	_ =	shalt  }
0x87: {  	_ =	shalt  }
.Lfunc_end0:
.L_simem_size_0:
called_computation_lowered:
.L_overlay_start_0:
0x88: {  	s2 =	sld [smem:$0x3FD9]  }
0x89: {  	s3 =	sld [smem:$0x3FFE];
	_ =	sdelay $0x1  }
0x8a: {  	s1 =	srdreg.scid  }
0x8b: {  	s0 =	sand.u32 $0x1, s1  }
0x8c: {  	s17 =	sshll.u32 s0, $0xA;
	s2 =	sadd.s32 s3, s2  }
0x8d: {  	s2 =	sadd.s32 s2, s17  }
0x8e: {  	[smem:$0x3FC5] =	sst s2  }
0x8f: {  	_ = 	snop  }
0x90: {  	s2 =	sld [smem:$0x3FC9]  }
0x91: {  	s18 =	sld [smem:$0x3FD0];
	(tm) =	ssettm $0x1  }
0x92: {  	s4 =	sld [smem:$0x3FFB];
	_ =	sdelay $0x3  }
0x93: {  	_ =	strace s4  }
0x94: {  	s4 =	sld [smem:$0x3FFC];
	_ =	sdelay $0x3  }
0x95: {  	_ =	strace s4  }
0x96: {  	s4 =	sld [smem:$0x3FFD];
	_ =	sdelay $0x3  }
0x97: {  	_ =	strace s4  }
0x98: {  	_ =	strace $0x8FFFFFFF  }
0x99: {  	s19 =	sld [smem:$0x3FDB];
	_ =	sdelay $0x1  }
0x9a: {  	s5 =	simm.s32 $_scs_section_size  }
0x9b: {  	s6 =	simm.s32 $_size__tile_overlayer_lowered;
	s7 =	simm.s32 $_tile_overlayer_lowered  }
0x9c: {  	s22 =	simm.s32 $0x1BFF;
	s21 =	sshll.u32 s7, $0x1;
	s4 =	sadd.s32 s5, s19  }
0x9d: {  	s8 =	simm.s32 $0x0;
	s20 =	sshll.u32 s6, $0x1;
	s6 =	sadd.s32 s21, s4  }
0x9e: {  	[timem:s8], [sflag:s22] =	dma.local [hbm:s6], s20  }
0x9f: {  	_ =	swait.ge [sflag:s22], s20  }
0xa0: {  	s5 =	ssub.s32 $0x0, s20;
	[sflag:s22] =	ssyncset.done $0x0  }
0xa1: {  	[sflag:s22] =	ssyncadd.s32 s5;
	_ =	sdelay $0x1  }
0xa2: {  	s23 =	simm.s32 $0x1B8B  }
0xa3: {  	_ =	swait.ge [sflag:s23], $0x1  }
0xa4: {  	[sflag:s23] =	ssyncset.done $0x0  }
0xa5: {  	s25 =	simm.s32 $0x1B8E;
	s24 =	sld [smem:$0x3FFE];
	[sflag:s23] =	ssyncadd.s32 $0xFFFFFFFF  }
0xa6: {  	s26 =	simm.s32 $execute0_lowered;
	[smem:$0x3FD2] =	sst s25  }
0xa7: {  	s6 =	sshll.u32 s26, $0x1;
	_ =	strace $0x80000046;
	[dreg:$0x1] =	wrdreg $0xFFFFFFFF  }
0xa8: {  	s28 =	simm.s32 $_size_execute0_lowered;
	s4 =	sadd.s32 s4, s6;
	[dreg:$0x0] =	wrdreg $0x0  }
0xa9: {  	s6 =	sshll.u32 s28, $0x1;
	[dreg:$0x2] =	wrdreg s4  }
0xaa: {  	[dreg:$0x3] =	wrdreg s6  }
0xab: {  	[dreg:$0x4] =	wrdreg $0xC0  }
0xac: {  	_ =	task [dreg:s8], $0x5FFFF  }
0xad: {  	[dreg:$0x1] =	wrdreg $0xFFFFFFFF  }
0xae: {  	[dreg:$0x0] =	wrdreg $0x60  }
0xaf: {  	[dreg:$0x2] =	wrdreg s2  }
0xb0: {  	[dreg:$0x3] =	wrdreg s24  }
0xb1: {  	[dreg:$0x4] =	wrdreg s18  }
0xb2: {  	[dreg:$0x5] =	wrdreg $0x9  }
0xb3: {  	_ =	task.clear_ibuf [dreg:s8], $0x6FFFF;
	_ =	strace $0x90000046  }
0xb4: {  	s29 =	simm.s32 $0x9;
	_ =	strace $0x80000048  }
0xb5: {  	_ =	swait.ge [sflag:s29], $0x1  }
0xb6: {  	[sflag:s29] =	ssyncadd.s32 $0xFFFFFFFF  }
0xb7: {  	_ =	strace $0x90000048  }
0xb8: {  	_ =	sfence  }
0xb9: {  	s30 =	sld [smem:$0x0];
	_ =	sdelay $0x2  }
0xba: {  	s31 =	sshll.u32 s1, $0xD;
	s1 =	sshrl.u32 s1, $0x2  }
0xbb: {  	s3 =	sand.u32 $0x4000, s31;
	s1 =	sadd.s32 s1, s30  }
0xbc: {  	s0 =	sor.u32 s3, s0;
	s1 =	sshll.u32 s1, $0x11  }
0xbd: {  	s0 =	sor.u32 s1, s0  }
0xbe: {  	s0 =	sadd.s32 $0x8F2B, s0  }
0xbf: {  	[sflag:s0] =	ssyncadd.remote.s32 $0x1  }
0xc0: {  	_ =	sfence.sel $0xFFFF  }
0xc1: {  	[dreg:$0x0] =	wrdreg $0xFFFFFFFF;
	(pc) =	sbr.abs _section_cstart, $3  }
0xc2: {  	[dreg:$0x1] =	wrdreg $0xFFFFFFFF  }
0xc3: {  	_ =	task.clear_ibuf [dreg:s8], $0x2FFFF;
	_ =	strace $0x9FFFFFFF  }
0xc4: {  	(tm) =	ssettm $0x7FFFFFFF  }
0xc5: {  	_ =	shalt  }
tec
execute0_lowered:
.L_overlay_start_1:
0x0: {  	(tag) =	ssettag $0x1  }
0x1: {  	s1 =	rddreg [dreg:$0x0]  }
0x2: {  	s0 =	rddreg [dreg:$0x1]  }
0x3: {  	s2 =	rddreg [dreg:$0x2]  }
0x4: {  	s3 =	simm.s32 $0x0;
	s4 =	srdreg.scid;
	s24 =	stileid.u32  }
0x5: {  	s16 =	simm.s32 $0x5;
	s17 =	simm.s32 $0x4000;
	s18 =	simm.s32 $0x8000  }
0x6: {  	s19 =	simm.s32 $0xC000;
	s22 =	simm.s32 $0x12080;
	s23 =	simm.s32 $0x1  }
0x7: {  	s28 =	simm.s32 $0x3;
	s29 =	simm.s32 $0x4;
	s30 =	simm.s32 $0x0  }
0x8: {  	[smem:$0x7FF] =	sst s3;
	s5 =	sadd.s32 $0x1800, s0;
	s4 =	sand.u32 $0x1, s4  }
0x9: {  	s6 =	sadd.s32 $0x2000, s0;
	s7 =	sadd.s32 $0x2800, s0;
	s9 =	sadd.s32 $0x3000, s0  }
0xa: {  	s10 =	sadd.s32 $0x1600, s0;
	_ =	strace $0x80000047;
	[dreg:$0x4] =	wrdreg s5  }
0xb: {  	[dreg:$0x5] =	wrdreg s6;
	s5 =	sshll.u32 s24, $0x13;
	s25 =	sshll.u32 s4, $0x12  }
.Ltmp0:
0xc: {  	[dreg:$0x6] =	wrdreg s7;
	s4 =	ssub.s32 $0x2, s4;
	(pc) =	sbr.rel .LBB2_1-.Ltmp0, $4  }
0xd: {  	s24 =	simm.s32 $0x14080;
	s8 =	sor.u32 s25, s5;
	s26 =	sshrl.u32 s4, $0x1  }
0xe: {  	s25 =	simm.s32 $0x2;
	s6 =	sshrl.u32 s8, $0x3;
	s31 =	ssub.s32 s4, s26  }
0xf: {  	s13 =	sor.u32 $0x4000, s8;
	s14 =	sor.u32 $0x6000, s8;
	s11 =	sadd.s32 s1, s6  }
0x10: {  	s26 =	simm.s32 $0x16080;
	s15 =	smax.u32 s31, $0x1;
	s12 =	sadd.s32 $0x400, s11  }
.LBB2_8:
0x11: {  	s30 =	sadd.s32 $0x1, s30  }
0x12: {  	_ =	swait.ge [sflag:s28], $0x2000;
	p0 =	sne.s32 s30, s15  }
.Ltmp1:
0x13: {  	[sflag:s28] =	ssyncset.done $0x0;
	(pc) =	sbr.rel @!p0 .LBB2_9-.Ltmp1, $4  }
0x14: {  	[sflag:s28] =	ssyncadd.s32 $0xFFFFE000  }
0x15: {  	_ =	swait.ge [sflag:s29], $0x2000  }
0x16: {  	[sflag:s29] =	ssyncset.done $0x0  }
0x17: {  	[sflag:s29] =	ssyncadd.s32 $0xFFFFE000  }
.LBB2_1:
0x18: {  	s0 =	rddreg [dreg:$0x4]  }
0x19: {  	[tilespmem:s3], [sflag:$0x5] =	stream.linear.gather [hbm4b:s0+s3], $0x4000, $0x38;
	[tilespmem:$0x18080] =	vst v63  }
0x1a: {  	_ =	swait.ge [sflag:s16], $0x4000  }
0x1b: {  	[sflag:s16] =	ssyncset.done $0x0  }
0x1c: {  	s6 =	rddreg [dreg:$0x5];
	[sflag:s16] =	ssyncadd.s32 $0xFFFFC000  }
0x1d: {  	[tilespmem:s17], [sflag:$0x5] =	stream.linear.gather [hbm4b:s6+s3], $0x4000, $0x38;
	[tilespmem:$0x18080] =	vst v63  }
0x1e: {  	_ =	swait.ge [sflag:s16], $0x4000  }
0x1f: {  	[sflag:s16] =	ssyncset.done $0x0  }
0x20: {  	s7 =	rddreg [dreg:$0x6];
	[sflag:s16] =	ssyncadd.s32 $0xFFFFC000  }
0x21: {  	[tilespmem:s18], [sflag:$0x5] =	stream.linear.gather [hbm4b:s7+s3], $0x4000, $0x38;
	[tilespmem:$0x18080] =	vst v63  }
0x22: {  	_ =	swait.ge [sflag:s16], $0x4000  }
0x23: {  	[sflag:s16] =	ssyncset.done $0x0  }
0x24: {  	[sflag:s16] =	ssyncadd.s32 $0xFFFFC000  }
0x25: {  	[tilespmem:s19], [sflag:$0x5] =	stream.linear.gather [hbm4b:s9+s3], $0x4000, $0x38;
	[tilespmem:$0x18080] =	vst v63  }
0x26: {  	_ =	swait.ge [sflag:s16], $0x4000  }
0x27: {  	[sflag:s16] =	ssyncset.done $0x0  }
0x28: {  	s20 =	simm.s32 $0x10000;
	[sflag:s16] =	ssyncadd.s32 $0xFFFFC000  }
0x29: {  	[tilespmem:s20], [sflag:$0x5] =	stream.linear.gather [hbm4b:s10+s3], $0x80, $0x38;
	[tilespmem:$0x18080] =	vst v63  }
0x2a: {  	_ =	swait.ge [sflag:s16], $0x80  }
0x2b: {  	[sflag:s16] =	ssyncset.done $0x0  }
0x2c: {  	[sflag:s16] =	ssyncadd.s32 $0xFFFFFF80  }
0x2d: {  	v1 =	vld [tilespmem:$0x10010]  }
0x2e: {  	s21 =	simm.s32 $0x10080  }
0x2f: {  	v0 =	vld [tilespmem:$0x10000];
	[tilespmem:s21], [sflag:$0x1] =	stream.linear.gather [hbm4b:s11+s3], $0x2000, $0x38  }
0x30: {  	s31 =	simm.s32 $0x0  }
0x31: {  	[tilespmem:s22], [sflag:$0x2] =	stream.linear.gather [hbm4b:s12+s3], $0x2000, $0x38;
	[tilespmem:$0x18080] =	vst v63  }
.LBB2_2:
0x32: {  	p0 =	seq.s32 s31, $0x0  }
0x33: {  	s0 =	simm.s32 @!p0 $0x3  }
0x34: {  	_ =	swait.ge @!p0 [sflag:s0], $0x2000  }
0x35: {  	[sflag:s0] =	ssyncset.done @!p0 $0x0  }
0x36: {  	[sflag:s0] =	ssyncadd.s32 @!p0 $0xFFFFE000  }
0x37: {  	_ =	swait.ge [sflag:s23], $0x2000  }
0x38: {  	[sflag:s23] =	ssyncset.done $0x0  }
0x39: {  	s20 =	simm.s32 $0x100C0;
	[sflag:s23] =	ssyncadd.s32 $0xFFFFE000  }
0x3a: {  	v2 =	vld [tilespmem:s20+$0xFFFFFFF0]  }
0x3b: {  	v3 =	vld [tilespmem:s20+$0x20];
	_ =	sdelay $0x3  }
0x3c: {  	v4 =	vld [tilespmem:s20+$0x10];
	v2 =	vsub.f32 v2, v0  }
0x3d: {  	v3 =	vsub.f32 v3, v0  }
0x3e: {  	v5 =	vmul.f32 v2, v1  }
0x3f: {  	v2 =	vld [tilespmem:s20+$0xFFFFFFD0];
	v3 =	vmul.f32 v3, v1  }
0x40: {  	v6 =	vtrunc.f32 v5  }
0x41: {  	v4 =	vsub.f32 v4, v0;
	v7 =	vtrunc.f32 v3;
	v6 =	vcvt.f32.s32 v6  }
0x42: {  	v10 =	vld [tilespmem:s20+$0x0];
	v7 =	vcvt.f32.s32 v7  }
0x43: {  	v13 =	vld [tilespmem:s20+$0xFFFFFFC0];
	v4 =	vmul.f32 v4, v1;
	vm0 =	vgt.s32 v6, $0x0  }
0x44: {  	s21 =	simm.s32 $0x10140;
	v16 =	vld [tilespmem:s20+$0xFFFFFFE0];
	v2 =	vsub.f32 v2, v0;
	vm4 =	vgt.s32 v7, $0x0;
	v6 =	vnsel vm0, $0x0, v6  }
0x45: {  	v31 =	vld [tilespmem:s21+$0x0];
	v7 =	vnsel vm4, $0x0, v7;
	v8 =	vmin.u32 v6, $0x3FFF;
	v6 =	vtrunc.f32 v4  }
0x46: {  	v9 =	vmul.f32 v2, v1;
	v2 =	vld [tilespmem:s20+$0x30];
	v12 =	vmin.u32 v7, $0x3FFF;
	v7 =	vcvt.f32.s32 v6  }
0x47: {  	v58 =	vld [tilespmem:s21+$0xFFFFFFF0]  }
0x48: {  	v35 =	vld [tilespmem:s21+$0xFFFFFFD0];
	v11 =	vtrunc.f32 v9;
	vm5 =	vgt.s32 v7, $0x0  }
0x49: {  	v37 =	vld [tilespmem:s21+$0x10];
	v11 =	vcvt.f32.s32 v11;
	v7 =	vnsel vm5, $0x0, v7  }
0x4a: {  	v16 =	vsub.f32 v16, v0;
	v15 =	vld.idx.msk [tilespmem:v8+s19+$0x0], $0xffff;
	v18 =	vmin.u32 v7, $0x3FFF;
	v7 =	vsub.f32 v10, v0  }
0x4b: {  	v13 =	vsub.f32 v13, v0;
	v6 =	vld.idx.msk [tilespmem:v8+s18+$0x0], $0xffff;
	vm1 =	vgt.s32 v11, $0x0;
	v14 =	vsub.f32 v2, v0  }
0x4c: {  	v2 =	vld.idx.msk [tilespmem:v8+s3+$0x0], $0xffff;
	v11 =	vnsel vm1, $0x0, v11;
	v26 =	vcvt.s32.f32 v18;
	v20 =	vmul.f32 v7, v1  }
0x4d: {  	v11 =	vmin.u32 v11, $0x3FFF;
	v21 =	vmul.f32 v14, v1;
	v7 =	vld.idx.msk [tilespmem:v8+s17+$0x0], $0xffff;
	v8 =	vcvt.s32.f32 v8  }
0x4e: {  	v31 =	vsub.f32 v31, v0;
	v10 =	vld.idx.msk [tilespmem:v12+s17+$0x0], $0xffff;
	v28 =	vcvt.s32.f32 v11;
	v14 =	vtrunc.f32 v20  }
0x4f: {  	v19 =	vld.idx.msk [tilespmem:v12+s19+$0x0], $0xffff;
	v23 =	vcvt.f32.s32 v14;
	v14 =	vsub.f32 v5, v8;
	v8 =	vtrunc.f32 v21  }
0x50: {  	v35 =	vsub.f32 v35, v0;
	v22 =	vld.idx.msk [tilespmem:v18+s19+$0x0], $0xffff;
	v5 =	vcvt.s32.f32 v12;
	v8 =	vcvt.f32.s32 v8  }
0x51: {  	v16 =	vmul.f32 v16, v1;
	v26 =	vsub.f32 v4, v26;
	v28 =	vsub.f32 v9, v28;
	v9 =	vld.idx.msk [tilespmem:v18+s18+$0x0], $0xffff  }
0x52: {  	v25 =	vld.idx.msk [tilespmem:v11+s19+$0x0], $0xffff;
	v15 =	vmul.f32 v14, v15;
	v17 =	vsub.f32 v3, v5;
	vm6 =	vgt.s32 v8, $0x0  }
0x53: {  	v5 =	vld [tilespmem:s21+$0x20];
	vm7 =	vgt.s32 v23, $0x0;
	v3 =	vnsel vm6, $0x0, v8;
	v8 =	vmul.f32 v13, v1  }
0x54: {  	v29 =	vld.idx.msk [tilespmem:v11+s18+$0x0], $0xffff;
	v23 =	vnsel vm7, $0x0, v23;
	v13 =	vmul.f32 v17, v19;
	v19 =	vtrunc.f32 v16  }
0x55: {  	v40 =	vld.idx.msk [tilespmem:v12+s3+$0x0], $0xffff;
	v30 =	vmin.u32 v3, $0x3FFF;
	v19 =	vcvt.f32.s32 v19;
	v22 =	vmul.f32 v26, v22  }
0x56: {  	v27 =	vld.idx.msk [tilespmem:v18+s17+$0x0], $0xffff;
	v23 =	vmin.u32 v23, $0x3FFF;
	v32 =	vtrunc.f32 v8;
	v34 =	vcvt.s32.f32 v30  }
0x57: {  	v3 =	vld [tilespmem:s21+$0x30];
	v33 =	vmul.f32 v28, v25;
	v4 =	vcvt.f32.s32 v32;
	v9 =	vadd.f32 v22, v9  }
0x58: {  	v41 =	vld.idx.msk [tilespmem:v18+s3+$0x0], $0xffff;
	vm9 =	vgt.s32 v19, $0x0;
	v32 =	vsub.f32 v58, v0;
	v5 =	vsub.f32 v5, v0  }
0x59: {  	v22 =	vld.idx.msk [tilespmem:v12+s18+$0x0], $0xffff;
	v19 =	vnsel vm9, $0x0, v19;
	vm8 =	vgt.s32 v4, $0x0;
	v29 =	vadd.f32 v33, v29  }
0x5a: {  	v24 =	vld.idx.msk [tilespmem:v11+s17+$0x0], $0xffff;
	v9 =	vmul.f32 v9, v26;
	v32 =	vmul.f32 v32, v1;
	v4 =	vnsel vm8, $0x0, v4  }
0x5b: {  	v11 =	vld.idx.msk [tilespmem:v11+s3+$0x0], $0xffff;
	v62 =	vmul.f32 v5, v1;
	v63 =	vmin.u32 v19, $0x3FFF;
	v59 =	vmin.u32 v4, $0x3FFF  }
0x5c: {  	v25 =	vld [tilespmem:s21+$0xFFFFFFC0];
	v29 =	vmul.f32 v29, v28;
	v4 =	vsub.f32 v3, v0;
	v3 =	vmul.f32 v31, v1  }
0x5d: {  	v36 =	vld.idx.msk [tilespmem:v30+s19+$0x0], $0xffff;
	v31 =	vcvt.s32.f32 v23;
	v12 =	vadd.f32 v9, v27;
	v27 =	vsub.f32 v21, v34  }
0x5e: {  	v5 =	vld.idx.msk [tilespmem:v23+s19+$0x0], $0xffff;
	v21 =	vmul.f32 v35, v1;
	v13 =	vadd.f32 v13, v22;
	v22 =	vtrunc.f32 v32  }
0x5f: {  	v61 =	vld.idx.msk [tilespmem:v23+s17+$0x0], $0xffff;
	v4 =	vmul.f32 v4, v1;
	v60 =	vtrunc.f32 v3  }
0x60: {  	v38 =	vld.idx.msk [tilespmem:v30+s18+$0x0], $0xffff;
	v9 =	vsub.f32 v20, v31;
	v19 =	vcvt.f32.s32 v22;
	v26 =	vmul.f32 v12, v26  }
0x61: {  	v46 =	vld.idx.msk [tilespmem:v30+s17+$0x0], $0xffff;
	v22 =	vadd.f32 v29, v24;
	v24 =	vcvt.s32.f32 v63;
	v31 =	vcvt.f32.s32 v60  }
0x62: {  	v18 =	vsub.f32 v37, v0;
	v29 =	vld.idx.msk [tilespmem:v23+s18+$0x0], $0xffff;
	v13 =	vmul.f32 v13, v17;
	v20 =	vmul.f32 v27, v36  }
0x63: {  	v47 =	vld.idx.msk [tilespmem:v63+s19+$0x0], $0xffff;
	vm11 =	vgt.s32 v19, $0x0;
	v22 =	vmul.f32 v22, v28;
	v45 =	vmul.f32 v9, v5  }
0x64: {  	v49 =	vld.idx.msk [tilespmem:v63+s17+$0x0], $0xffff;
	v28 =	vtrunc.f32 v21;
	v24 =	vsub.f32 v16, v24;
	v60 =	vtrunc.f32 v4  }
0x65: {  	v39 =	vld.idx.msk [tilespmem:v59+s17+$0x0], $0xffff;
	vm10 =	vgt.s32 v31, $0x0;
	v43 =	vadd.f32 v13, v10;
	v10 =	vtrunc.f32 v62  }
0x66: {  	v12 =	vnsel vm11, $0x0, v19;
	v19 =	vmul.f32 v18, v1;
	v18 =	vld.idx.msk [tilespmem:v23+s3+$0x0], $0xffff;
	v23 =	vcvt.f32.s32 v28  }
0x67: {  	v52 =	vld.idx.msk [tilespmem:v59+s19+$0x0], $0xffff;
	v38 =	vadd.f32 v20, v38;
	v20 =	vcvt.s32.f32 v59;
	v44 =	vmin.u32 v12, $0x3FFF  }
0x68: {  	v42 =	vld.idx.msk [tilespmem:v59+s18+$0x0], $0xffff;
	v10 =	vcvt.f32.s32 v10;
	v13 =	vnsel vm10, $0x0, v31;
	v53 =	vadd.f32 v22, v11  }
0x69: {  	v28 =	vld.idx.msk [tilespmem:v30+s3+$0x0], $0xffff;
	v5 =	vcvt.s32.f32 v44;
	v31 =	vtrunc.f32 v19;
	v22 =	vadd.f32 v45, v29  }
0x6a: {  	v12 =	vld.idx.msk [tilespmem:v63+s3+$0x0], $0xffff;
	vm14 =	vgt.s32 v23, $0x0;
	v43 =	vmul.f32 v43, v17;
	v20 =	vsub.f32 v8, v20  }
0x6b: {  	v29 =	vld [tilespmem:s21+$0xFFFFFFE0];
	vm12 =	vgt.s32 v10, $0x0;
	v38 =	vmul.f32 v38, v27;
	v23 =	vnsel vm14, $0x0, v23  }
0x6c: {  	v8 =	vld.idx.msk [tilespmem:v63+s18+$0x0], $0xffff;
	v10 =	vnsel vm12, $0x0, v10;
	v55 =	vmul.f32 v22, v9;
	v22 =	vmin.u32 v23, $0x3FFF  }
0x6d: {  	v16 =	vmin.u32 v10, $0x3FFF;
	v10 =	vadd.f32 v15, v6;
	v15 =	vcvt.f32.s32 v31;
	v31 =	vld.idx.msk [tilespmem:v59+s3+$0x0], $0xffff  }
0x6e: {  	v26 =	vadd.f32 v26, v41;
	v56 =	vmul.f32 v24, v47;
	v37 =	vmul.f32 v20, v52;
	v48 =	vld.idx.msk [tilespmem:v44+s19+$0x0], $0xffff  }
0x6f: {  	v5 =	vsub.f32 v32, v5;
	v57 =	vcvt.s32.f32 v22;
	v6 =	vld.idx.msk [tilespmem:v44+s18+$0x0], $0xffff;
	v30 =	vcvt.s32.f32 v16  }
0x70: {  	v33 =	vadd.f32 v55, v61;
	v23 =	vld.idx.msk [tilespmem:v44+s3+$0x0], $0xffff;
	v11 =	vmul.f32 v10, v14;
	vm13 =	vgt.s32 v15, $0x0  }
0x71: {  	v54 =	vadd.f32 v37, v42;
	v10 =	vnsel vm13, $0x0, v15;
	v59 =	vadd.f32 v56, v8;
	v8 =	vld.idx.msk [tilespmem:v44+s17+$0x0], $0xffff  }
0x72: {  	v17 =	vsub.f32 v21, v57;
	v37 =	vcvt.f32.s32 v60;
	v15 =	vmin.u32 v10, $0x3FFF;
	v21 =	vld.idx.msk [tilespmem:v22+s17+$0x0], $0xffff  }
0x73: {  	v58 =	vadd.f32 v11, v7;
	v61 =	vmul.f32 v54, v20;
	v7 =	vsub.f32 v62, v30;
	v50 =	vld.idx.msk [tilespmem:v16+s19+$0x0], $0xffff  }
0x74: {  	v62 =	vadd.f32 v38, v46;
	v30 =	vsub.f32 v29, v0;
	v35 =	vld.idx.msk [tilespmem:v22+s19+$0x0], $0xffff;
	v32 =	vcvt.s32.f32 v15  }
0x75: {  	vm15 =	vgt.s32 v37, $0x0;
	v29 =	vld.idx.msk [tilespmem:v22+s18+$0x0], $0xffff;
	v63 =	vmul.f32 v59, v24;
	v11 =	vmul.f32 v5, v48  }
0x76: {  	s4 =	simm.s32 $0x140C0;
	v10 =	vld.idx.msk [tilespmem:v16+s17+$0x0], $0xffff;
	v36 =	vmul.f32 v58, v14;
	v38 =	vadd.f32 v61, v39;
	v39 =	vmul.f32 v62, v27  }
0x77: {  	s5 =	simm.s32 $0x14140;
	s6 =	simm.s32 $0x101C0;
	[tilespmem:s4+$0x10] =	vst v26;
	v14 =	vnsel vm15, $0x0, v37;
	v37 =	vadd.f32 v43, v40;
	v40 =	vsub.f32 v25, v0;
	v34 =	vld.idx.msk [tilespmem:v15+s19+$0x0], $0xffff  }
0x78: {  	s0 =	sshll.u32 s31, $0xE;
	s20 =	simm.s32 $0x14140;
	s21 =	simm.s32 $0x80;
	[tilespmem:s4+$0xFFFFFFD0] =	vst v53;
	v14 =	vmin.u32 v14, $0x3FFF;
	v25 =	vadd.f32 v63, v49;
	v27 =	vld.idx.msk [tilespmem:v15+s17+$0x0], $0xffff;
	v26 =	vmul.f32 v7, v50  }
.LBB2_3:
0x79: {  	v41 =	vld [tilespmem:s6+$0x20];
	s21 =	sadd.s32 $0x80, s21;
	v30 =	vmul.f32 v30, v1;
	s5 =	sadd.s32 $0x80, s5;
	v20 =	vmul.f32 v38, v20;
	v28 =	vadd.f32 v39, v28  }
0x7a: {  	p0 =	slt.u32 s21, $0x1F80;
	v38 =	vmul.f32 v40, v1;
	v39 =	vld.idx.msk [tilespmem:v15+s18+$0x0], $0xffff;
	v24 =	vmul.f32 v25, v24;
	v25 =	vadd.f32 v36, v2  }
0x7b: {  	v9 =	vmul.f32 v33, v9;
	v2 =	vmovc v23;
	v36 =	vld [tilespmem:s6+$0x30];
	v40 =	vtrunc.f32 v30;
	v20 =	vadd.f32 v20, v31;
	[tilespmem:s4+$0x20] =	vst v37  }
0x7c: {  	v19 =	vsub.f32 v19, v32;
	v33 =	vmul.f32 v17, v35;
	v23 =	vld [tilespmem:s6+$0x0];
	v31 =	vtrunc.f32 v38;
	[tilespmem:s4+$0xFFFFFFF0] =	vst v25  }
0x7d: {  	v9 =	vadd.f32 v9, v18;
	v32 =	vcvt.f32.s32 v40;
	v25 =	vld [tilespmem:s6+$0xFFFFFFC0];
	v31 =	vcvt.f32.s32 v31;
	[tilespmem:s4+$0xFFFFFFC0] =	vst v20  }
0x7e: {  	v12 =	vadd.f32 v24, v12;
	v20 =	vmul.f32 v19, v34;
	v34 =	vcvt.s32.f32 v14;
	v18 =	vld [tilespmem:s6+$0xFFFFFFF0];
	[tilespmem:s4+$0x30] =	vst v28  }
0x7f: {  	v28 =	vadd.f32 v33, v29;
	vm1 =	vgt.s32 v32, $0x0;
	v24 =	vld [tilespmem:s6+$0xFFFFFFD0];
	vm0 =	vgt.s32 v31, $0x0;
	[tilespmem:s4+$0x0] =	vst v9  }
0x80: {  	v20 =	vadd.f32 v20, v39;
	v9 =	vnsel vm0, $0x0, v31;
	v31 =	vnsel vm1, $0x0, v32;
	v32 =	vld.idx.msk [tilespmem:v16+s18+$0x0], $0xffff;
	[tilespmem:s4+$0xFFFFFFE0] =	vst v12;
	s4 =	smov.u32 s20;
	s20 =	smov.u32 s5  }
0x81: {  	v28 =	vmul.f32 v28, v17;
	v12 =	vsub.f32 v23, v0;
	v23 =	vmin.u32 v9, $0x3FFF;
	v33 =	vld.idx.msk [tilespmem:v14+s19+$0x0], $0xffff  }
0x82: {  	v9 =	vsub.f32 v36, v0;
	v36 =	vmin.u32 v13, $0x3FFF;
	v13 =	vmul.f32 v20, v19;
	v35 =	vld [tilespmem:s6+$0x10]  }
0x83: {  	v20 =	vcvt.s32.f32 v36;
	v18 =	vsub.f32 v18, v0;
	v12 =	vmul.f32 v12, v1;
	v37 =	vld.idx.msk [tilespmem:v14+s18+$0x0], $0xffff  }
0x84: {  	v39 =	vsub.f32 v41, v0;
	v9 =	vmul.f32 v9, v1;
	v24 =	vsub.f32 v24, v0;
	v29 =	vld.idx.msk [tilespmem:v16+s3+$0x0], $0xffff  }
0x85: {  	v13 =	vadd.f32 v13, v27;
	v27 =	vsub.f32 v4, v34;
	v16 =	vmul.f32 v18, v1;
	v22 =	vld.idx.msk [tilespmem:v22+s3+$0x0], $0xffff  }
0x86: {  	v18 =	vtrunc.f32 v12;
	v4 =	vmovc v9;
	v34 =	vmul.f32 v24, v1;
	v40 =	vld.idx.msk [tilespmem:v23+s17+$0x0], $0xffff;
	v24 =	vadd.f32 v26, v32  }
0x87: {  	v9 =	vsub.f32 v3, v20;
	v3 =	vmovc v12;
	v20 =	vmul.f32 v27, v33;
	v26 =	vtrunc.f32 v16;
	v41 =	vld.idx.msk [tilespmem:v36+s17+$0x0], $0xffff  }
0x88: {  	v39 =	vmul.f32 v39, v1;
	v31 =	vmin.u32 v31, $0x3FFF;
	v18 =	vcvt.f32.s32 v18;
	v32 =	vld.idx.msk [tilespmem:v36+s19+$0x0], $0xffff  }
0x89: {  	v21 =	vadd.f32 v28, v21;
	v12 =	vcvt.f32.s32 v26;
	v24 =	vmul.f32 v24, v7;
	v26 =	vld.idx.msk [tilespmem:v36+s18+$0x0], $0xffff  }
0x8a: {  	v28 =	vmul.f32 v13, v19;
	vm0 =	vgt.s32 v18, $0x0;
	v33 =	vadd.f32 v20, v37;
	v15 =	vld.idx.msk [tilespmem:v15+s3+$0x0], $0xffff  }
0x8b: {  	v13 =	vcvt.s32.f32 v23;
	v19 =	vsub.f32 v35, v0;
	vm1 =	vgt.s32 v12, $0x0;
	v35 =	vld.idx.msk [tilespmem:v23+s19+$0x0], $0xffff  }
0x8c: {  	v17 =	vmul.f32 v21, v17;
	v21 =	vadd.f32 v24, v10;
	v12 =	vnsel vm1, $0x0, v12;
	v37 =	vld.idx.msk [tilespmem:v23+s18+$0x0], $0xffff  }
0x8d: {  	v10 =	vtrunc.f32 v39;
	v24 =	vcvt.s32.f32 v31;
	v42 =	vmin.u32 v12, $0x3FFF;
	v12 =	vld.idx.msk [tilespmem:v31+s3+$0x0], $0xffff  }
0x8e: {  	v20 =	vsub.f32 v38, v13;
	v10 =	vcvt.f32.s32 v10;
	v32 =	vmul.f32 v9, v32;
	v38 =	vld.idx.msk [tilespmem:v31+s18+$0x0], $0xffff  }
0x8f: {  	v43 =	vtrunc.f32 v34;
	v13 =	vnsel vm0, $0x0, v18;
	v19 =	vmul.f32 v19, v1;
	v44 =	vld.idx.msk [tilespmem:v14+s17+$0x0], $0xffff  }
0x90: {  	v24 =	vsub.f32 v30, v24;
	v45 =	vcvt.s32.f32 v42;
	vm0 =	vgt.s32 v10, $0x0;
	v46 =	vld.idx.msk [tilespmem:v31+s19+$0x0], $0xffff  }
0x91: {  	v30 =	vtrunc.f32 v19;
	v10 =	vnsel vm0, $0x0, v10;
	v35 =	vmul.f32 v20, v35;
	v18 =	vld.idx.msk [tilespmem:v36+s3+$0x0], $0xffff  }
0x92: {  	v45 =	vsub.f32 v16, v45;
	v16 =	vmin.u32 v10, $0x3FFF;
	v10 =	vadd.f32 v11, v6;
	v36 =	vld.idx.msk [tilespmem:v42+s19+$0x0], $0xffff  }
0x93: {  	v11 =	vcvt.f32.s32 v30;
	v15 =	vadd.f32 v28, v15;
	v30 =	vmul.f32 v33, v27;
	v6 =	vld.idx.msk [tilespmem:v42+s18+$0x0], $0xffff  }
0x94: {  	v17 =	vadd.f32 v17, v22;
	v33 =	vcvt.f32.s32 v43;
	v43 =	vmul.f32 v10, v5;
	v28 =	vld.idx.msk [tilespmem:v14+s3+$0x0], $0xffff  }
0x95: {  	v22 =	vadd.f32 v32, v26;
	vm0 =	vgt.s32 v11, $0x0;
	v14 =	vcvt.s32.f32 v16;
	v47 =	vld.idx.msk [tilespmem:v31+s17+$0x0], $0xffff;
	[tilespmem:s4+$0x10] =	vst v15  }
0x96: {  	vm1 =	vgt.s32 v33, $0x0;
	v10 =	vnsel vm0, $0x0, v11;
	v11 =	vadd.f32 v35, v37;
	v26 =	vld [tilespmem:s6+$0xFFFFFFE0];
	[tilespmem:s4+$0xFFFFFFD0] =	vst v17  }
0x97: {  	v15 =	vmin.u32 v10, $0x3FFF;
	v17 =	vnsel vm1, $0x0, v33;
	v33 =	vmul.f32 v22, v9;
	v10 =	vld.idx.msk [tilespmem:v16+s17+$0x0], $0xffff  }
0x98: {  	v32 =	vcvt.s32.f32 v15;
	v22 =	vmin.u32 v17, $0x3FFF;
	v17 =	vmul.f32 v24, v46;
	v31 =	vld.idx.msk [tilespmem:v23+s3+$0x0], $0xffff  }
0x99: {  	v43 =	vadd.f32 v43, v8;
	v35 =	vcvt.s32.f32 v22;
	v33 =	vadd.f32 v33, v41;
	v37 =	vld.idx.msk [tilespmem:v16+s19+$0x0], $0xffff  }
0x9a: {  	v46 =	vmul.f32 v11, v20;
	v41 =	vtrunc.f32 v4;
	v38 =	vadd.f32 v17, v38;
	v23 =	vld.idx.msk [tilespmem:v42+s3+$0x0], $0xffff  }
0x9b: {  	v11 =	vmul.f32 v45, v36;
	v8 =	vld.idx.msk [tilespmem:v42+s17+$0x0], $0xffff;
	v42 =	vmul.f32 v21, v7;
	v7 =	vsub.f32 v39, v14  }
.Ltmp2:
0x9c: {  	v17 =	vsub.f32 v34, v35;
	v14 =	vcvt.f32.s32 v41;
	v39 =	vadd.f32 v30, v44;
	v34 =	vld.idx.msk [tilespmem:v15+s19+$0x0], $0xffff;
	(pc) =	sbr.rel @p0 .LBB2_3-.Ltmp2, $4  }
0x9d: {  	v36 =	vmul.f32 v43, v5;
	v30 =	vsub.f32 v26, v0;
	v41 =	vmul.f32 v38, v24;
	v21 =	vld.idx.msk [tilespmem:v22+s17+$0x0], $0xffff  }
0x9e: {  	v5 =	vmovc v45;
	v38 =	vadd.f32 v46, v40;
	vm0 =	vgt.s32 v14, $0x0;
	v39 =	vmul.f32 v39, v27;
	v35 =	vld.idx.msk [tilespmem:v22+s19+$0x0], $0xffff  }
0x9f: {  	v26 =	vmul.f32 v7, v37;
	v14 =	vnsel vm0, $0x0, v14;
	v37 =	vadd.f32 v42, v29;
	v27 =	vld.idx.msk [tilespmem:v15+s17+$0x0], $0xffff  }
0xa0: {  	s6 =	sadd.s32 $0x80, s6;
	v40 =	vsub.f32 v25, v0;
	v25 =	vadd.f32 v41, v47;
	v14 =	vmin.u32 v14, $0x3FFF;
	v29 =	vld.idx.msk [tilespmem:v22+s18+$0x0], $0xffff  }
0xa1: {  	v30 =	vmul.f32 v30, v1  }
0xa2: {  	v19 =	vsub.f32 v19, v32;
	v40 =	vmul.f32 v40, v1  }
0xa3: {  	v13 =	vmin.u32 v13, $0x3FFF;
	v20 =	vmul.f32 v38, v20;
	v43 =	vtrunc.f32 v30  }
0xa4: {  	v28 =	vadd.f32 v39, v28;
	v41 =	vtrunc.f32 v40;
	v46 =	vcvt.f32.s32 v43  }
0xa5: {  	v42 =	vld.idx.msk [tilespmem:v15+s18+$0x0], $0xffff;
	v2 =	vadd.f32 v36, v2;
	v9 =	vmul.f32 v33, v9;
	v41 =	vcvt.f32.s32 v41  }
0xa6: {  	v44 =	vld.idx.msk [tilespmem:v16+s18+$0x0], $0xffff;
	v24 =	vmul.f32 v25, v24;
	v34 =	vmul.f32 v19, v34;
	vm14 =	vgt.s32 v46, $0x0  }
0xa7: {  	v47 =	vld.idx.msk [tilespmem:v14+s19+$0x0], $0xffff;
	v20 =	vadd.f32 v20, v31;
	vm0 =	vgt.s32 v41, $0x0;
	v31 =	vnsel vm14, $0x0, v46  }
0xa8: {  	v16 =	vld.idx.msk [tilespmem:v16+s3+$0x0], $0xffff;
	v48 =	vmul.f32 v17, v35;
	[tilespmem:s4+$0xFFFFFFF0] =	vst v2;
	v41 =	vnsel vm0, $0x0, v41;
	v31 =	vmin.u32 v31, $0x3FFF  }
0xa9: {  	v22 =	vld.idx.msk [tilespmem:v22+s3+$0x0], $0xffff;
	v9 =	vadd.f32 v9, v18;
	[tilespmem:s4+$0x30] =	vst v28;
	v12 =	vadd.f32 v24, v12;
	v41 =	vmin.u32 v41, $0x3FFF  }
0xaa: {  	v15 =	vld.idx.msk [tilespmem:v15+s3+$0x0], $0xffff;
	[tilespmem:s4+$0xFFFFFFC0] =	vst v20;
	v24 =	vadd.f32 v48, v29;
	v2 =	vadd.f32 v34, v42  }
0xab: {  	v6 =	vadd.f32 v11, v6;
	v25 =	vld.idx.msk [tilespmem:v14+s18+$0x0], $0xffff;
	v18 =	vcvt.s32.f32 v14;
	[tilespmem:s4+$0x0] =	vst v9  }
0xac: {  	v20 =	vld.idx.msk [tilespmem:v13+s19+$0x0], $0xffff;
	v26 =	vadd.f32 v26, v44;
	v24 =	vmul.f32 v24, v17;
	v2 =	vmul.f32 v2, v19  }
0xad: {  	v6 =	vmul.f32 v6, v5;
	v9 =	vcvt.s32.f32 v13;
	v4 =	vsub.f32 v4, v18;
	[tilespmem:s4+$0xFFFFFFE0] =	vst v12;
	v29 =	vld.idx.msk [tilespmem:v31+s19+$0x0], $0xffff  }
0xae: {  	v12 =	vadd.f32 v24, v21;
	v24 =	vmul.f32 v26, v7;
	v2 =	vadd.f32 v2, v27;
	v28 =	vld.idx.msk [tilespmem:v41+s19+$0x0], $0xffff  }
0xaf: {  	v21 =	vld.idx.msk [tilespmem:v13+s18+$0x0], $0xffff;
	v26 =	vcvt.s32.f32 v31;
	v18 =	vcvt.s32.f32 v41  }
0xb0: {  	v3 =	vsub.f32 v3, v9;
	v9 =	vmul.f32 v4, v47;
	v2 =	vmul.f32 v2, v19;
	v19 =	vld.idx.msk [tilespmem:v31+s18+$0x0], $0xffff  }
0xb1: {  	v12 =	vmul.f32 v12, v17;
	v17 =	vsub.f32 v30, v26;
	v18 =	vsub.f32 v40, v18;
	v27 =	vld.idx.msk [tilespmem:v41+s18+$0x0], $0xffff  }
0xb2: {  	v6 =	vadd.f32 v6, v8;
	v9 =	vadd.f32 v9, v25;
	v11 =	vmul.f32 v3, v20;
	v20 =	vld.idx.msk [tilespmem:v14+s17+$0x0], $0xffff  }
0xb3: {  	v2 =	vadd.f32 v2, v15;
	v15 =	vmul.f32 v17, v29;
	v25 =	vmul.f32 v18, v28;
	v28 =	vld.idx.msk [tilespmem:v13+s17+$0x0], $0xffff  }
0xb4: {  	v5 =	vmul.f32 v6, v5;
	v12 =	vadd.f32 v12, v22;
	v22 =	vld.idx.msk [tilespmem:v31+s17+$0x0], $0xffff;
	v11 =	vadd.f32 v11, v21  }
0xb5: {  	v10 =	vadd.f32 v24, v10;
	v9 =	vmul.f32 v9, v4;
	v49 =	vld.idx.msk [tilespmem:v41+s17+$0x0], $0xffff;
	v8 =	vadd.f32 v15, v19  }
0xb6: {  	v5 =	vadd.f32 v5, v23;
	v14 =	vld.idx.msk [tilespmem:v14+s3+$0x0], $0xffff;
	v11 =	vmul.f32 v11, v3;
	v24 =	vadd.f32 v25, v27  }
0xb7: {  	v7 =	vmul.f32 v10, v7;
	v9 =	vadd.f32 v9, v20;
	v13 =	vld.idx.msk [tilespmem:v13+s3+$0x0], $0xffff;
	v8 =	vmul.f32 v8, v17  }
0xb8: {  	[tilespmem:s20+$0x10] =	vst v2;
	v25 =	vld.idx.msk [tilespmem:v31+s3+$0x0], $0xffff;
	v21 =	vmul.f32 v24, v18;
	v2 =	vadd.f32 v11, v28  }
0xb9: {  	[tilespmem:s4+$0x20] =	vst v37;
	v4 =	vmul.f32 v9, v4;
	v24 =	vld.idx.msk [tilespmem:v41+s3+$0x0], $0xffff;
	v8 =	vadd.f32 v8, v22  }
0xba: {  	[tilespmem:s20+$0xFFFFFFF0] =	vst v5;
	v6 =	vadd.f32 v7, v16;
	v10 =	vadd.f32 v21, v49;
	v2 =	vmul.f32 v2, v3  }
0xbb: {  	[tilespmem:s20+$0xFFFFFFD0] =	vst v12;
	v3 =	vadd.f32 v4, v14;
	v4 =	vmul.f32 v8, v17  }
0xbc: {  	[tilespmem:s20+$0x20] =	vst v6;
	v7 =	vmul.f32 v10, v18;
	v2 =	vadd.f32 v2, v13  }
0xbd: {  	v4 =	vadd.f32 v4, v25;
	[tilespmem:s20+$0x30] =	vst v3  }
0xbe: {  	s7 =	sor.u32 s8, s0;
	v7 =	vadd.f32 v7, v24;
	[tilespmem:s20+$0x0] =	vst v2  }
0xbf: {  	s4 =	sshrl.u32 s7, $0x3;
	[tilespmem:s20+$0xFFFFFFE0] =	vst v4  }
0xc0: {  	p0 =	seq.s32 s31, $0xF;
	s5 =	sadd.s32 s2, s4;
	[tilespmem:s20+$0xFFFFFFC0] =	vst v7  }
0xc1: {  	[hbm4b:s5+s3] =	stream.linear.scatter [tilespmem:s24], [sflag:$0x3], $0x2000, $0x38;
	[tilespmem:$0x18080] =	vst v63  }
0xc2: {  	s5 =	sadd.s32 @!p0 s0, s13  }
0xc3: {  	p1 =	seq.s32 @!p0 s31, $0x0;
	s6 =	simm.s32 @!p0 $0x0;
	s5 =	sshrl.u32 @!p0 s5, $0x3  }
0xc4: {  	p1 =	por p0, !p1;
	s7 =	simm.s32 @!p0 $0x10080;
	s5 =	sadd.s32 @!p0 s1, s5  }
0xc5: {  	[tilespmem:s7], [sflag:$0x1] =	stream.linear.gather @!p0 [hbm4b:s5+s6], $0x2000, $0x38;
	[tilespmem:$0x18080] =	vst v63  }
0xc6: {  	_ =	swait.ge @p1 [sflag:s29], $0x2000  }
0xc7: {  	[sflag:s29] =	ssyncset.done @p1 $0x0  }
0xc8: {  	[sflag:s29] =	ssyncadd.s32 @p1 $0xFFFFE000  }
0xc9: {  	_ =	swait.ge [sflag:s25], $0x2000  }
0xca: {  	[sflag:s25] =	ssyncset.done $0x0  }
0xcb: {  	s20 =	simm.s32 $0x120C0;
	[sflag:s25] =	ssyncadd.s32 $0xFFFFE000  }
0xcc: {  	v2 =	vld [tilespmem:s20+$0xFFFFFFF0]  }
0xcd: {  	v3 =	vld [tilespmem:s20+$0x20];
	_ =	sdelay $0x3  }
0xce: {  	v4 =	vld [tilespmem:s20+$0x10];
	v2 =	vsub.f32 v2, v0  }
0xcf: {  	v3 =	vsub.f32 v3, v0  }
0xd0: {  	v5 =	vmul.f32 v2, v1  }
0xd1: {  	v2 =	vld [tilespmem:s20+$0xFFFFFFD0];
	v3 =	vmul.f32 v3, v1  }
0xd2: {  	v6 =	vtrunc.f32 v5  }
0xd3: {  	v4 =	vsub.f32 v4, v0;
	v7 =	vtrunc.f32 v3;
	v6 =	vcvt.f32.s32 v6  }
0xd4: {  	v10 =	vld [tilespmem:s20+$0x0];
	v7 =	vcvt.f32.s32 v7  }
0xd5: {  	v14 =	vld [tilespmem:s20+$0xFFFFFFC0];
	v4 =	vmul.f32 v4, v1;
	vm15 =	vgt.s32 v6, $0x0  }
0xd6: {  	s21 =	simm.s32 $0x12140;
	v16 =	vld [tilespmem:s20+$0xFFFFFFE0];
	v2 =	vsub.f32 v2, v0;
	vm4 =	vgt.s32 v7, $0x0;
	v6 =	vnsel vm15, $0x0, v6  }
0xd7: {  	v31 =	vld [tilespmem:s21+$0x0];
	v7 =	vnsel vm4, $0x0, v7;
	v8 =	vmin.u32 v6, $0x3FFF;
	v6 =	vtrunc.f32 v4  }
0xd8: {  	v9 =	vmul.f32 v2, v1;
	v2 =	vld [tilespmem:s20+$0x30];
	v12 =	vmin.u32 v7, $0x3FFF;
	v7 =	vcvt.f32.s32 v6  }
0xd9: {  	v52 =	vld [tilespmem:s21+$0xFFFFFFF0]  }
0xda: {  	v54 =	vld [tilespmem:s21+$0xFFFFFFD0];
	v11 =	vtrunc.f32 v9;
	vm5 =	vgt.s32 v7, $0x0  }
0xdb: {  	v56 =	vld [tilespmem:s21+$0x10];
	v16 =	vsub.f32 v16, v0;
	v11 =	vcvt.f32.s32 v11;
	v7 =	vnsel vm5, $0x0, v7  }
0xdc: {  	v14 =	vsub.f32 v14, v0;
	v15 =	vld.idx.msk [tilespmem:v8+s19+$0x0], $0xffff;
	v18 =	vmin.u32 v7, $0x3FFF;
	v7 =	vsub.f32 v10, v0  }
0xdd: {  	v31 =	vsub.f32 v31, v0;
	v6 =	vld.idx.msk [tilespmem:v8+s18+$0x0], $0xffff;
	vm1 =	vgt.s32 v11, $0x0;
	v13 =	vsub.f32 v2, v0  }
0xde: {  	v2 =	vld.idx.msk [tilespmem:v8+s3+$0x0], $0xffff;
	v11 =	vnsel vm1, $0x0, v11;
	v26 =	vcvt.s32.f32 v18;
	v20 =	vmul.f32 v7, v1  }
0xdf: {  	v11 =	vmin.u32 v11, $0x3FFF;
	v21 =	vmul.f32 v13, v1;
	v7 =	vld.idx.msk [tilespmem:v8+s17+$0x0], $0xffff;
	v8 =	vcvt.s32.f32 v8  }
0xe0: {  	v32 =	vsub.f32 v52, v0;
	v10 =	vld.idx.msk [tilespmem:v12+s17+$0x0], $0xffff;
	v28 =	vcvt.s32.f32 v11;
	v13 =	vtrunc.f32 v20  }
0xe1: {  	v19 =	vld.idx.msk [tilespmem:v12+s19+$0x0], $0xffff;
	v23 =	vcvt.f32.s32 v13;
	v13 =	vsub.f32 v5, v8;
	v8 =	vtrunc.f32 v21  }
0xe2: {  	v35 =	vsub.f32 v54, v0;
	v22 =	vld.idx.msk [tilespmem:v18+s19+$0x0], $0xffff;
	v5 =	vcvt.s32.f32 v12;
	v8 =	vcvt.f32.s32 v8  }
0xe3: {  	v16 =	vmul.f32 v16, v1;
	v32 =	vmul.f32 v32, v1;
	v28 =	vsub.f32 v9, v28;
	v9 =	vld.idx.msk [tilespmem:v18+s18+$0x0], $0xffff  }
0xe4: {  	v26 =	vsub.f32 v4, v26;
	v25 =	vld.idx.msk [tilespmem:v11+s19+$0x0], $0xffff;
	v17 =	vsub.f32 v3, v5;
	vm6 =	vgt.s32 v8, $0x0  }
0xe5: {  	v15 =	vmul.f32 v13, v15;
	v5 =	vld [tilespmem:s21+$0x20];
	v3 =	vnsel vm6, $0x0, v8;
	v8 =	vmul.f32 v14, v1  }
0xe6: {  	v29 =	vld.idx.msk [tilespmem:v11+s18+$0x0], $0xffff;
	vm7 =	vgt.s32 v23, $0x0;
	v14 =	vmul.f32 v17, v19;
	v19 =	vtrunc.f32 v16  }
0xe7: {  	v40 =	vld.idx.msk [tilespmem:v12+s3+$0x0], $0xffff;
	v30 =	vmin.u32 v3, $0x3FFF;
	v19 =	vcvt.f32.s32 v19;
	v22 =	vmul.f32 v26, v22  }
0xe8: {  	v27 =	vld.idx.msk [tilespmem:v18+s17+$0x0], $0xffff;
	v23 =	vnsel vm7, $0x0, v23;
	v50 =	vtrunc.f32 v8;
	v53 =	vcvt.s32.f32 v30  }
0xe9: {  	v23 =	vmin.u32 v23, $0x3FFF;
	v3 =	vld [tilespmem:s21+$0x30];
	v51 =	vmul.f32 v28, v25;
	v4 =	vcvt.f32.s32 v50  }
0xea: {  	v60 =	vld.idx.msk [tilespmem:v18+s3+$0x0], $0xffff;
	vm9 =	vgt.s32 v19, $0x0;
	v9 =	vadd.f32 v22, v9;
	v5 =	vsub.f32 v5, v0  }
0xeb: {  	v22 =	vld.idx.msk [tilespmem:v12+s18+$0x0], $0xffff;
	v19 =	vnsel vm9, $0x0, v19;
	vm8 =	vgt.s32 v4, $0x0;
	v29 =	vadd.f32 v51, v29  }
0xec: {  	v24 =	vld.idx.msk [tilespmem:v11+s17+$0x0], $0xffff;
	v9 =	vmul.f32 v9, v26;
	v34 =	vmul.f32 v5, v1;
	v4 =	vnsel vm8, $0x0, v4  }
0xed: {  	v11 =	vld.idx.msk [tilespmem:v11+s3+$0x0], $0xffff;
	v59 =	vmin.u32 v19, $0x3FFF;
	v33 =	vmin.u32 v4, $0x3FFF;
	v29 =	vmul.f32 v29, v28  }
0xee: {  	v25 =	vld [tilespmem:s21+$0xFFFFFFC0];
	v4 =	vsub.f32 v3, v0;
	v3 =	vmul.f32 v31, v1;
	v31 =	vcvt.s32.f32 v23  }
0xef: {  	v55 =	vld.idx.msk [tilespmem:v30+s19+$0x0], $0xffff;
	v12 =	vadd.f32 v9, v27;
	v27 =	vsub.f32 v21, v53;
	v21 =	vmul.f32 v35, v1  }
0xf0: {  	v5 =	vld.idx.msk [tilespmem:v23+s19+$0x0], $0xffff;
	v14 =	vadd.f32 v14, v22;
	v22 =	vtrunc.f32 v32;
	v4 =	vmul.f32 v4, v1  }
0xf1: {  	v57 =	vld.idx.msk [tilespmem:v30+s18+$0x0], $0xffff;
	v58 =	vtrunc.f32 v3;
	v19 =	vcvt.f32.s32 v22  }
0xf2: {  	v46 =	vld.idx.msk [tilespmem:v30+s17+$0x0], $0xffff;
	v22 =	vadd.f32 v29, v24;
	v26 =	vmul.f32 v12, v26;
	v24 =	vcvt.s32.f32 v59  }
0xf3: {  	v35 =	vld.idx.msk [tilespmem:v23+s17+$0x0], $0xffff;
	v9 =	vsub.f32 v20, v31;
	v31 =	vcvt.f32.s32 v58;
	v14 =	vmul.f32 v14, v17  }
0xf4: {  	v18 =	vsub.f32 v56, v0;
	v29 =	vld.idx.msk [tilespmem:v23+s18+$0x0], $0xffff;
	v20 =	vmul.f32 v27, v55;
	v22 =	vmul.f32 v22, v28  }
0xf5: {  	v47 =	vld.idx.msk [tilespmem:v59+s19+$0x0], $0xffff;
	vm11 =	vgt.s32 v19, $0x0;
	v45 =	vmul.f32 v9, v5;
	v28 =	vtrunc.f32 v21  }
0xf6: {  	v49 =	vld.idx.msk [tilespmem:v59+s17+$0x0], $0xffff;
	v24 =	vsub.f32 v16, v24;
	v26 =	vadd.f32 v26, v60;
	v60 =	vtrunc.f32 v4  }
0xf7: {  	v39 =	vld.idx.msk [tilespmem:v33+s17+$0x0], $0xffff;
	vm10 =	vgt.s32 v31, $0x0;
	v63 =	vadd.f32 v14, v10;
	v10 =	vtrunc.f32 v34  }
0xf8: {  	v12 =	vnsel vm11, $0x0, v19;
	v19 =	vmul.f32 v18, v1;
	v18 =	vld.idx.msk [tilespmem:v23+s3+$0x0], $0xffff;
	v23 =	vcvt.f32.s32 v28  }
0xf9: {  	v61 =	vld.idx.msk [tilespmem:v33+s19+$0x0], $0xffff;
	v38 =	vadd.f32 v20, v57;
	v20 =	vcvt.s32.f32 v33;
	v52 =	vmin.u32 v12, $0x3FFF  }
0xfa: {  	v62 =	vld.idx.msk [tilespmem:v33+s18+$0x0], $0xffff;
	v10 =	vcvt.f32.s32 v10;
	v14 =	vnsel vm10, $0x0, v31;
	v53 =	vadd.f32 v22, v11  }
0xfb: {  	v28 =	vld.idx.msk [tilespmem:v30+s3+$0x0], $0xffff;
	v5 =	vcvt.s32.f32 v52;
	v31 =	vtrunc.f32 v19;
	v22 =	vadd.f32 v45, v29  }
0xfc: {  	v12 =	vld.idx.msk [tilespmem:v59+s3+$0x0], $0xffff;
	vm14 =	vgt.s32 v23, $0x0;
	v43 =	vmul.f32 v63, v17;
	v20 =	vsub.f32 v8, v20  }
0xfd: {  	v29 =	vld [tilespmem:s21+$0xFFFFFFE0];
	vm12 =	vgt.s32 v10, $0x0;
	v38 =	vmul.f32 v38, v27;
	v23 =	vnsel vm14, $0x0, v23  }
0xfe: {  	v8 =	vld.idx.msk [tilespmem:v59+s18+$0x0], $0xffff;
	v10 =	vnsel vm12, $0x0, v10;
	v55 =	vmul.f32 v22, v9;
	v22 =	vmin.u32 v23, $0x3FFF  }
0xff: {  	v16 =	vmin.u32 v10, $0x3FFF;
	v10 =	vadd.f32 v15, v6;
	v15 =	vcvt.f32.s32 v31;
	v31 =	vld.idx.msk [tilespmem:v33+s3+$0x0], $0xffff  }
0x100: {  	v56 =	vmul.f32 v24, v47;
	v37 =	vmul.f32 v20, v61;
	v48 =	vld.idx.msk [tilespmem:v52+s19+$0x0], $0xffff  }
0x101: {  	v5 =	vsub.f32 v32, v5;
	v57 =	vcvt.s32.f32 v22;
	v6 =	vld.idx.msk [tilespmem:v52+s18+$0x0], $0xffff;
	v30 =	vcvt.s32.f32 v16  }
0x102: {  	v33 =	vadd.f32 v55, v35;
	v23 =	vld.idx.msk [tilespmem:v52+s3+$0x0], $0xffff;
	v11 =	vmul.f32 v10, v13;
	vm13 =	vgt.s32 v15, $0x0  }
0x103: {  	v54 =	vadd.f32 v37, v62;
	v10 =	vnsel vm13, $0x0, v15;
	v59 =	vadd.f32 v56, v8;
	v8 =	vld.idx.msk [tilespmem:v52+s17+$0x0], $0xffff  }
0x104: {  	v17 =	vsub.f32 v21, v57;
	v37 =	vcvt.f32.s32 v60;
	v15 =	vmin.u32 v10, $0x3FFF;
	v21 =	vld.idx.msk [tilespmem:v22+s17+$0x0], $0xffff  }
0x105: {  	v62 =	vadd.f32 v38, v46;
	v58 =	vadd.f32 v11, v7;
	v61 =	vmul.f32 v54, v20;
	v50 =	vld.idx.msk [tilespmem:v16+s19+$0x0], $0xffff  }
0x106: {  	v7 =	vsub.f32 v34, v30;
	v30 =	vsub.f32 v29, v0;
	v35 =	vld.idx.msk [tilespmem:v22+s19+$0x0], $0xffff;
	v32 =	vcvt.s32.f32 v15  }
0x107: {  	vm15 =	vgt.s32 v37, $0x0;
	v29 =	vld.idx.msk [tilespmem:v22+s18+$0x0], $0xffff;
	v63 =	vmul.f32 v59, v24;
	v11 =	vmul.f32 v5, v48  }
0x108: {  	s21 =	simm.s32 $0x160C0;
	v10 =	vld.idx.msk [tilespmem:v16+s17+$0x0], $0xffff;
	v36 =	vmul.f32 v58, v13;
	v38 =	vadd.f32 v61, v39;
	v39 =	vmul.f32 v62, v27  }
0x109: {  	s5 =	simm.s32 $0x80;
	[tilespmem:s21+$0x10] =	vst v26;
	v13 =	vnsel vm15, $0x0, v37;
	v37 =	vadd.f32 v43, v40;
	v40 =	vsub.f32 v25, v0;
	v34 =	vld.idx.msk [tilespmem:v15+s19+$0x0], $0xffff  }
0x10a: {  	s6 =	simm.s32 $0x16140;
	s7 =	simm.s32 $0x121C0;
	s20 =	simm.s32 $0x16140;
	[tilespmem:s21+$0xFFFFFFD0] =	vst v53;
	v13 =	vmin.u32 v13, $0x3FFF;
	v25 =	vadd.f32 v63, v49;
	v27 =	vld.idx.msk [tilespmem:v15+s17+$0x0], $0xffff;
	v26 =	vmul.f32 v7, v50  }
.LBB2_5:
0x10b: {  	v41 =	vld [tilespmem:s7+$0x20];
	s5 =	sadd.s32 $0x80, s5;
	v30 =	vmul.f32 v30, v1;
	s6 =	sadd.s32 $0x80, s6;
	v20 =	vmul.f32 v38, v20;
	v28 =	vadd.f32 v39, v28  }
0x10c: {  	p1 =	slt.u32 s5, $0x1F80;
	v38 =	vmul.f32 v40, v1;
	v39 =	vld.idx.msk [tilespmem:v15+s18+$0x0], $0xffff;
	v24 =	vmul.f32 v25, v24;
	v25 =	vadd.f32 v36, v2  }
0x10d: {  	v9 =	vmul.f32 v33, v9;
	v2 =	vmovc v23;
	v36 =	vld [tilespmem:s7+$0x30];
	v40 =	vtrunc.f32 v30;
	v20 =	vadd.f32 v20, v31;
	[tilespmem:s21+$0x20] =	vst v37  }
0x10e: {  	v19 =	vsub.f32 v19, v32;
	v33 =	vmul.f32 v17, v35;
	v23 =	vld [tilespmem:s7+$0x0];
	v31 =	vtrunc.f32 v38;
	[tilespmem:s21+$0xFFFFFFF0] =	vst v25  }
0x10f: {  	v9 =	vadd.f32 v9, v18;
	v32 =	vcvt.f32.s32 v40;
	v25 =	vld [tilespmem:s7+$0xFFFFFFC0];
	v31 =	vcvt.f32.s32 v31;
	[tilespmem:s21+$0xFFFFFFC0] =	vst v20  }
0x110: {  	v12 =	vadd.f32 v24, v12;
	v20 =	vmul.f32 v19, v34;
	v34 =	vcvt.s32.f32 v13;
	v18 =	vld [tilespmem:s7+$0xFFFFFFF0];
	[tilespmem:s21+$0x30] =	vst v28  }
0x111: {  	v28 =	vadd.f32 v33, v29;
	vm1 =	vgt.s32 v32, $0x0;
	v24 =	vld [tilespmem:s7+$0xFFFFFFD0];
	vm0 =	vgt.s32 v31, $0x0;
	[tilespmem:s21+$0x0] =	vst v9  }
0x112: {  	v20 =	vadd.f32 v20, v39;
	v9 =	vnsel vm0, $0x0, v31;
	v31 =	vnsel vm1, $0x0, v32;
	v32 =	vld.idx.msk [tilespmem:v16+s18+$0x0], $0xffff;
	[tilespmem:s21+$0xFFFFFFE0] =	vst v12;
	s21 =	smov.u32 s20;
	s20 =	smov.u32 s6  }
0x113: {  	v28 =	vmul.f32 v28, v17;
	v12 =	vsub.f32 v23, v0;
	v23 =	vmin.u32 v9, $0x3FFF;
	v33 =	vld.idx.msk [tilespmem:v13+s19+$0x0], $0xffff  }
0x114: {  	v9 =	vsub.f32 v36, v0;
	v36 =	vmin.u32 v14, $0x3FFF;
	v14 =	vmul.f32 v20, v19;
	v35 =	vld [tilespmem:s7+$0x10]  }
0x115: {  	v20 =	vcvt.s32.f32 v36;
	v18 =	vsub.f32 v18, v0;
	v12 =	vmul.f32 v12, v1;
	v37 =	vld.idx.msk [tilespmem:v13+s18+$0x0], $0xffff  }
0x116: {  	v39 =	vsub.f32 v41, v0;
	v9 =	vmul.f32 v9, v1;
	v24 =	vsub.f32 v24, v0;
	v29 =	vld.idx.msk [tilespmem:v16+s3+$0x0], $0xffff  }
0x117: {  	v14 =	vadd.f32 v14, v27;
	v27 =	vsub.f32 v4, v34;
	v16 =	vmul.f32 v18, v1;
	v22 =	vld.idx.msk [tilespmem:v22+s3+$0x0], $0xffff  }
0x118: {  	v18 =	vtrunc.f32 v12;
	v4 =	vmovc v9;
	v34 =	vmul.f32 v24, v1;
	v40 =	vld.idx.msk [tilespmem:v23+s17+$0x0], $0xffff;
	v24 =	vadd.f32 v26, v32  }
0x119: {  	v9 =	vsub.f32 v3, v20;
	v3 =	vmovc v12;
	v20 =	vmul.f32 v27, v33;
	v26 =	vtrunc.f32 v16;
	v41 =	vld.idx.msk [tilespmem:v36+s17+$0x0], $0xffff  }
0x11a: {  	v39 =	vmul.f32 v39, v1;
	v31 =	vmin.u32 v31, $0x3FFF;
	v18 =	vcvt.f32.s32 v18;
	v32 =	vld.idx.msk [tilespmem:v36+s19+$0x0], $0xffff  }
0x11b: {  	v21 =	vadd.f32 v28, v21;
	v12 =	vcvt.f32.s32 v26;
	v24 =	vmul.f32 v24, v7;
	v26 =	vld.idx.msk [tilespmem:v36+s18+$0x0], $0xffff  }
0x11c: {  	v28 =	vmul.f32 v14, v19;
	vm0 =	vgt.s32 v18, $0x0;
	v33 =	vadd.f32 v20, v37;
	v15 =	vld.idx.msk [tilespmem:v15+s3+$0x0], $0xffff  }
0x11d: {  	v14 =	vcvt.s32.f32 v23;
	v19 =	vsub.f32 v35, v0;
	vm1 =	vgt.s32 v12, $0x0;
	v35 =	vld.idx.msk [tilespmem:v23+s19+$0x0], $0xffff  }
0x11e: {  	v17 =	vmul.f32 v21, v17;
	v21 =	vadd.f32 v24, v10;
	v12 =	vnsel vm1, $0x0, v12;
	v37 =	vld.idx.msk [tilespmem:v23+s18+$0x0], $0xffff  }
0x11f: {  	v10 =	vtrunc.f32 v39;
	v24 =	vcvt.s32.f32 v31;
	v42 =	vmin.u32 v12, $0x3FFF;
	v12 =	vld.idx.msk [tilespmem:v31+s3+$0x0], $0xffff  }
0x120: {  	v20 =	vsub.f32 v38, v14;
	v10 =	vcvt.f32.s32 v10;
	v32 =	vmul.f32 v9, v32;
	v38 =	vld.idx.msk [tilespmem:v31+s18+$0x0], $0xffff  }
0x121: {  	v43 =	vtrunc.f32 v34;
	v14 =	vnsel vm0, $0x0, v18;
	v19 =	vmul.f32 v19, v1;
	v44 =	vld.idx.msk [tilespmem:v13+s17+$0x0], $0xffff  }
0x122: {  	v24 =	vsub.f32 v30, v24;
	v45 =	vcvt.s32.f32 v42;
	vm0 =	vgt.s32 v10, $0x0;
	v46 =	vld.idx.msk [tilespmem:v31+s19+$0x0], $0xffff  }
0x123: {  	v30 =	vtrunc.f32 v19;
	v10 =	vnsel vm0, $0x0, v10;
	v35 =	vmul.f32 v20, v35;
	v18 =	vld.idx.msk [tilespmem:v36+s3+$0x0], $0xffff  }
0x124: {  	v45 =	vsub.f32 v16, v45;
	v16 =	vmin.u32 v10, $0x3FFF;
	v10 =	vadd.f32 v11, v6;
	v36 =	vld.idx.msk [tilespmem:v42+s19+$0x0], $0xffff  }
0x125: {  	v11 =	vcvt.f32.s32 v30;
	v15 =	vadd.f32 v28, v15;
	v30 =	vmul.f32 v33, v27;
	v6 =	vld.idx.msk [tilespmem:v42+s18+$0x0], $0xffff  }
0x126: {  	v17 =	vadd.f32 v17, v22;
	v33 =	vcvt.f32.s32 v43;
	v43 =	vmul.f32 v10, v5;
	v28 =	vld.idx.msk [tilespmem:v13+s3+$0x0], $0xffff  }
0x127: {  	v22 =	vadd.f32 v32, v26;
	vm0 =	vgt.s32 v11, $0x0;
	v13 =	vcvt.s32.f32 v16;
	v47 =	vld.idx.msk [tilespmem:v31+s17+$0x0], $0xffff;
	[tilespmem:s21+$0x10] =	vst v15  }
0x128: {  	vm1 =	vgt.s32 v33, $0x0;
	v10 =	vnsel vm0, $0x0, v11;
	v11 =	vadd.f32 v35, v37;
	v26 =	vld [tilespmem:s7+$0xFFFFFFE0];
	[tilespmem:s21+$0xFFFFFFD0] =	vst v17  }
0x129: {  	v15 =	vmin.u32 v10, $0x3FFF;
	v17 =	vnsel vm1, $0x0, v33;
	v33 =	vmul.f32 v22, v9;
	v10 =	vld.idx.msk [tilespmem:v16+s17+$0x0], $0xffff  }
0x12a: {  	v32 =	vcvt.s32.f32 v15;
	v22 =	vmin.u32 v17, $0x3FFF;
	v17 =	vmul.f32 v24, v46;
	v31 =	vld.idx.msk [tilespmem:v23+s3+$0x0], $0xffff  }
0x12b: {  	v43 =	vadd.f32 v43, v8;
	v35 =	vcvt.s32.f32 v22;
	v33 =	vadd.f32 v33, v41;
	v37 =	vld.idx.msk [tilespmem:v16+s19+$0x0], $0xffff  }
0x12c: {  	v46 =	vmul.f32 v11, v20;
	v41 =	vtrunc.f32 v4;
	v38 =	vadd.f32 v17, v38;
	v23 =	vld.idx.msk [tilespmem:v42+s3+$0x0], $0xffff  }
0x12d: {  	v11 =	vmul.f32 v45, v36;
	v8 =	vld.idx.msk [tilespmem:v42+s17+$0x0], $0xffff;
	v42 =	vmul.f32 v21, v7;
	v7 =	vsub.f32 v39, v13  }
.Ltmp3:
0x12e: {  	v17 =	vsub.f32 v34, v35;
	v13 =	vcvt.f32.s32 v41;
	v39 =	vadd.f32 v30, v44;
	v34 =	vld.idx.msk [tilespmem:v15+s19+$0x0], $0xffff;
	(pc) =	sbr.rel @p1 .LBB2_5-.Ltmp3, $4  }
0x12f: {  	v36 =	vmul.f32 v43, v5;
	v30 =	vsub.f32 v26, v0;
	v41 =	vmul.f32 v38, v24;
	v21 =	vld.idx.msk [tilespmem:v22+s17+$0x0], $0xffff  }
0x130: {  	v5 =	vmovc v45;
	v38 =	vadd.f32 v46, v40;
	vm0 =	vgt.s32 v13, $0x0;
	v39 =	vmul.f32 v39, v27;
	v35 =	vld.idx.msk [tilespmem:v22+s19+$0x0], $0xffff  }
0x131: {  	v26 =	vmul.f32 v7, v37;
	v13 =	vnsel vm0, $0x0, v13;
	v37 =	vadd.f32 v42, v29;
	v27 =	vld.idx.msk [tilespmem:v15+s17+$0x0], $0xffff  }
0x132: {  	s7 =	sadd.s32 $0x80, s7;
	v40 =	vsub.f32 v25, v0;
	v25 =	vadd.f32 v41, v47;
	v13 =	vmin.u32 v13, $0x3FFF;
	v29 =	vld.idx.msk [tilespmem:v22+s18+$0x0], $0xffff  }
0x133: {  	_ =	sdelay $0x1  }
0x134: {  	v30 =	vmul.f32 v30, v1  }
0x135: {  	v19 =	vsub.f32 v19, v32;
	v20 =	vmul.f32 v38, v20;
	v40 =	vmul.f32 v40, v1  }
0x136: {  	v42 =	vld.idx.msk [tilespmem:v15+s18+$0x0], $0xffff;
	v14 =	vmin.u32 v14, $0x3FFF;
	v9 =	vmul.f32 v33, v9;
	v43 =	vtrunc.f32 v30  }
0x137: {  	v44 =	vld.idx.msk [tilespmem:v16+s18+$0x0], $0xffff;
	v28 =	vadd.f32 v39, v28;
	v41 =	vtrunc.f32 v40;
	v54 =	vcvt.f32.s32 v43  }
0x138: {  	v55 =	vld.idx.msk [tilespmem:v13+s19+$0x0], $0xffff;
	v2 =	vadd.f32 v36, v2;
	v60 =	vcvt.s32.f32 v13;
	v41 =	vcvt.f32.s32 v41  }
0x139: {  	v56 =	vld.idx.msk [tilespmem:v13+s18+$0x0], $0xffff;
	v6 =	vadd.f32 v11, v6;
	v24 =	vmul.f32 v25, v24;
	vm15 =	vgt.s32 v54, $0x0  }
0x13a: {  	v16 =	vld.idx.msk [tilespmem:v16+s3+$0x0], $0xffff;
	v32 =	vcvt.s32.f32 v14;
	vm0 =	vgt.s32 v41, $0x0;
	v57 =	vnsel vm15, $0x0, v54  }
0x13b: {  	v22 =	vld.idx.msk [tilespmem:v22+s3+$0x0], $0xffff;
	v20 =	vadd.f32 v20, v31;
	v41 =	vnsel vm0, $0x0, v41;
	v31 =	vmin.u32 v57, $0x3FFF  }
0x13c: {  	[tilespmem:s21+$0x20] =	vst v37;
	v49 =	vld.idx.msk [tilespmem:v13+s17+$0x0], $0xffff;
	v34 =	vmul.f32 v19, v34;
	v58 =	vmul.f32 v17, v35;
	v41 =	vmin.u32 v41, $0x3FFF  }
0x13d: {  	[tilespmem:s21+$0xFFFFFFF0] =	vst v2;
	v9 =	vadd.f32 v9, v18;
	v4 =	vsub.f32 v4, v60;
	v61 =	vld.idx.msk [tilespmem:v14+s19+$0x0], $0xffff;
	v35 =	vcvt.s32.f32 v41  }
0x13e: {  	v6 =	vmul.f32 v6, v5;
	v12 =	vadd.f32 v24, v12;
	v2 =	vadd.f32 v34, v42;
	v34 =	vld.idx.msk [tilespmem:v15+s3+$0x0], $0xffff  }
0x13f: {  	[tilespmem:s21+$0x30] =	vst v28;
	v62 =	vadd.f32 v58, v29;
	v18 =	vsub.f32 v40, v35;
	v40 =	vld.idx.msk [tilespmem:v14+s18+$0x0], $0xffff  }
0x140: {  	v3 =	vsub.f32 v3, v32;
	v6 =	vadd.f32 v6, v8;
	v37 =	vmul.f32 v4, v55;
	v38 =	vld.idx.msk [tilespmem:v31+s19+$0x0], $0xffff  }
0x141: {  	[tilespmem:s21+$0xFFFFFFC0] =	vst v20;
	v26 =	vadd.f32 v26, v44;
	v24 =	vmul.f32 v62, v17;
	v43 =	vcvt.s32.f32 v31;
	v63 =	vld.idx.msk [tilespmem:v41+s19+$0x0], $0xffff  }
0x142: {  	[tilespmem:s21+$0x0] =	vst v9;
	v60 =	vmul.f32 v6, v5;
	v2 =	vmul.f32 v2, v19;
	v44 =	vld.idx.msk [tilespmem:v31+s18+$0x0], $0xffff  }
0x143: {  	v42 =	vmul.f32 v26, v7;
	v9 =	vadd.f32 v37, v56;
	v47 =	vsub.f32 v30, v43;
	v36 =	vld.idx.msk [tilespmem:v41+s18+$0x0], $0xffff  }
0x144: {  	[tilespmem:s21+$0xFFFFFFE0] =	vst v12;
	v39 =	vadd.f32 v24, v21;
	v2 =	vadd.f32 v2, v27;
	v48 =	vmul.f32 v3, v61  }
0x145: {  	v46 =	vld.idx.msk [tilespmem:v14+s17+$0x0], $0xffff;
	v5 =	vadd.f32 v60, v23;
	v10 =	vadd.f32 v42, v10;
	v52 =	vmul.f32 v47, v38  }
0x146: {  	v2 =	vmul.f32 v2, v19;
	v53 =	vld.idx.msk [tilespmem:v31+s17+$0x0], $0xffff;
	v11 =	vadd.f32 v48, v40;
	v45 =	vmul.f32 v18, v63  }
0x147: {  	v9 =	vmul.f32 v9, v4;
	v12 =	vmul.f32 v39, v17;
	v59 =	vld.idx.msk [tilespmem:v41+s17+$0x0], $0xffff;
	v56 =	vadd.f32 v52, v44  }
0x148: {  	v57 =	vld.idx.msk [tilespmem:v13+s3+$0x0], $0xffff;
	v2 =	vadd.f32 v2, v34;
	v11 =	vmul.f32 v11, v3;
	v50 =	vadd.f32 v45, v36  }
0x149: {  	v58 =	vmul.f32 v10, v7;
	v14 =	vld.idx.msk [tilespmem:v14+s3+$0x0], $0xffff;
	v9 =	vadd.f32 v9, v49;
	v8 =	vmul.f32 v56, v47  }
0x14a: {  	v51 =	vld.idx.msk [tilespmem:v31+s3+$0x0], $0xffff;
	[tilespmem:s20+$0x10] =	vst v2;
	v2 =	vadd.f32 v11, v46;
	v54 =	vmul.f32 v50, v18  }
0x14b: {  	v12 =	vadd.f32 v12, v22;
	v55 =	vld.idx.msk [tilespmem:v41+s3+$0x0], $0xffff;
	v4 =	vmul.f32 v9, v4;
	v8 =	vadd.f32 v8, v53  }
0x14c: {  	[tilespmem:s20+$0xFFFFFFF0] =	vst v5;
	v61 =	vadd.f32 v58, v16;
	v2 =	vmul.f32 v2, v3;
	v59 =	vadd.f32 v54, v59  }
0x14d: {  	[tilespmem:s20+$0xFFFFFFD0] =	vst v12;
	v3 =	vadd.f32 v4, v57;
	v63 =	vmul.f32 v8, v47  }
0x14e: {  	[tilespmem:s20+$0x20] =	vst v61;
	v2 =	vadd.f32 v2, v14;
	v62 =	vmul.f32 v59, v18  }
.Ltmp4:
0x14f: {  	[tilespmem:s20+$0x30] =	vst v3;
	v4 =	vadd.f32 v63, v51;
	(pc) =	sbr.rel @p0 .LBB2_8-.Ltmp4, $4  }
0x150: {  	[tilespmem:s20+$0x0] =	vst v2;
	v7 =	vadd.f32 v62, v55  }
0x151: {  	s4 =	sadd.s32 s4, s2;
	[tilespmem:s20+$0xFFFFFFE0] =	vst v4  }
0x152: {  	s4 =	sadd.s32 $0x400, s4;
	[tilespmem:s20+$0xFFFFFFC0] =	vst v7  }
0x153: {  	[hbm4b:s4+s3] =	stream.linear.scatter [tilespmem:s26], [sflag:$0x4], $0x2000, $0x38;
	[tilespmem:$0x18080] =	vst v63  }
.Ltmp5:
0x154: {  	(pc) =	sbr.rel .LBB2_2-.Ltmp5, $4  }
0x155: {  	s0 =	sadd.s32 s0, s14  }
0x156: {  	s0 =	sshrl.u32 s0, $0x3  }
0x157: {  	s31 =	sadd.s32 $0x1, s31;
	s0 =	sadd.s32 s1, s0  }
0x158: {  	[tilespmem:s22], [sflag:$0x2] =	stream.linear.gather [hbm4b:s0+s3], $0x2000, $0x38;
	[tilespmem:$0x18080] =	vst v63  }
.LBB2_9:
0x159: {  	_ =	sfence.sel $0x180000  }
0x15a: {  	[bflag:$0x0] =	sbarrier.arrive $0xFFFF  }
0x15b: {  	_ =	strace $0x90000047  }
0x15c: {  	s0 =	stileid.u32;
	[bflag:$0x2] =	sbarrier.arrive $0xFFFF  }
0x15d: {  	p0 =	sne.s32 s0, $0x0;
	s0 =	rddreg [dreg:$0x3]  }
0x15e: {  	s0 =	sadd.s32 @!p0 $0x100000, s0  }
0x15f: {  	[sflag:s0] =	ssyncadd.tile.s32 @!p0 $0x1;
	_ =	shalt  }
.Lfunc_end2:
_tile_overlayer_lowered:
.L_overlay_start_2:
0x160: {  	(tag) =	ssettag $0x2  }
0x161: {  	s0 =	rddreg [dreg:$0x0];
	s2 =	stileid.u32  }
0x162: {  	s1 =	rddreg [dreg:$0x1];
	p0 =	sne.s32 s2, $0x0  }
0x163: {  	s3 =	rddreg [dreg:$0x2];
	[bflag:$0x3] =	sbarrier.arrive $0xFFFF;
	s2 =	simm.s32 @!p0 $0x1C05  }
0x164: {  	[timem:s3], [sflag:s2] =	dma.local @!p0 [hbm:s0], s1  }
0x165: {  	s0 =	simm.s32 @!p0 $0x5  }
0x166: {  	_ =	swait.ge @!p0 [sflag:s0], s1  }
0x167: {  	s1 =	ssub.s32 @!p0 $0x0, s1;
	[sflag:s0] =	ssyncset.done @!p0 $0x0  }
0x168: {  	[sflag:s0] =	ssyncadd.s32 @!p0 s1  }
0x169: {  	[bflag:$0x3] =	sbarrier.arrive $0xFFFF  }
0x16a: {  	_ =	shalt  }

</sc_bundles>
